<compile_context>
chip_gen: v7x
topology: tpu7x:2x2x1
jax: 0.10.2.dev20260603
libtpu: 0.0.44.dev20260713+nightly
codegen_flags: <defaults>
</compile_context>

<pallas_src>
import jax
import jax.numpy as jnp
from jax.experimental import pallas as pl
from jax.experimental.pallas import tpu as pltpu

B, L, V, E, H = 16384, 20, 512, 64, 64
BLK = 2048
SUB = 512
NB = B // BLK


def _body(lens, ids_e, len_e, ids_d, len_d, emb_t, wie, whe, bie,
          wid, whd, bid, bhe, bhd, out, ge_ref, gd_ref):
    i = pl.program_id(0)
    me = lens[i, 0]
    md = lens[i, 1]

    @pl.when(i == 0)
    def _build_tables():
        embv = emb_t[:].astype(jnp.bfloat16)
        ge_ref[:] = (jax.lax.dot_general(
            wie[:].astype(jnp.bfloat16), embv, (((1,), (0,)), ((), ())),
            preferred_element_type=jnp.float32) + bie[:]).astype(jnp.bfloat16)
        gd_ref[:] = (jax.lax.dot_general(
            wid[:].astype(jnp.bfloat16), embv, (((1,), (0,)), ((), ())),
            preferred_element_type=jnp.float32) + bid[:]).astype(jnp.bfloat16)

    iota = jax.lax.broadcasted_iota(jnp.int32, (V, 1), 0).astype(jnp.int16)
    one_bf = jnp.ones((), jnp.bfloat16)
    zero_bf = jnp.zeros((), jnp.bfloat16)

    whe_ = whe[:].astype(jnp.bfloat16)
    whd_ = whd[:].astype(jnp.bfloat16)
    bheb = jnp.broadcast_to(bhe[:], (3 * H, SUB))
    bhdb = jnp.broadcast_to(bhd[:], (3 * H, SUB))

    offs = tuple(range(0, BLK, SUB))
    lens_e = tuple(len_e[0:1, a:a + SUB] for a in offs)
    lens_d = tuple(len_d[0:1, a:a + SUB] for a in offs)

    def cell(ids_ref, g_ref, a0, t, wh, bhb, h):
        idc = ids_ref[pl.ds(t, 1), 0, a0:a0 + SUB]
        oh = jnp.where(idc == iota, one_bf, zero_bf)
        gi = jax.lax.dot_general(g_ref[:], oh, (((1,), (0,)), ((), ())),
                                 preferred_element_type=jnp.float32)
        gh = jax.lax.dot_general(wh, h.astype(jnp.bfloat16),
                                 (((1,), (0,)), ((), ())),
                                 preferred_element_type=jnp.float32) + bhb
        rz = 0.5 * jnp.tanh(0.5 * (gi[:2 * H, :] + gh[:2 * H, :])) + 0.5
        z = rz[H:, :]
        n = jnp.tanh(gi[2 * H:, :] + rz[:H, :] * gh[2 * H:, :])
        return (1.0 - z) * n + z * h

    def enc_body(t, hs):
        hn = [cell(ids_e, ge_ref, a, t, whe_, bheb, h)
              for a, h in zip(offs, hs)]
        return tuple(jnp.where(lv > t, hnew, h)
                     for lv, hnew, h in zip(lens_e, hn, hs))

    def dec_body(t, hs):
        hn = [cell(ids_d, gd_ref, a, t, whd_, bhdb, h)
              for a, h in zip(offs, hs)]
        ms = [lv > t for lv in lens_d]
        for a, m, hnew in zip(offs, ms, hn):
            out[pl.ds(t, 1), :, a:a + SUB] = jnp.where(
                m, hnew, 0.0).reshape(1, H, SUB)
        return tuple(jnp.where(m, hnew, h)
                     for m, hnew, h in zip(ms, hn, hs))

    out[:] = jnp.zeros((L, H, BLK), jnp.float32)
    h0 = tuple(jnp.zeros((H, SUB), jnp.float32) for _ in offs)
    hs = jax.lax.fori_loop(0, me, enc_body, h0)
    jax.lax.fori_loop(0, md, dec_body, hs)


def kernel(input, output, input_mask, output_mask, input_word_len,
           output_word_len, emb, w_ih_enc, w_hh_enc, b_ih_enc, b_hh_enc,
           w_ih_dec, w_hh_dec, b_ih_dec, b_hh_dec):
    in_len = input_word_len[:, 0]
    perm_in = jnp.argsort(-in_len)
    ids_e = jnp.take(input, perm_in, axis=0).astype(jnp.int16)
    len_e = jnp.take(in_len, perm_in).astype(jnp.int32)

    out_len = output_word_len[:, 0]
    perm_out = jnp.argsort(-out_len)
    ids_d = jnp.take(output, perm_out, axis=0).astype(jnp.int16)
    len_d = jnp.take(out_len, perm_out).astype(jnp.int32)

    ids_e3 = ids_e.T.reshape(L, 1, B)
    ids_d3 = ids_d.T.reshape(L, 1, B)

    maxlens = jnp.stack([len_e[::BLK], len_d[::BLK]], axis=1).astype(jnp.int32)

    full = lambda shape: pl.BlockSpec(shape, lambda i, *_: (0,) * len(shape))
    ids_spec = pl.BlockSpec((L, 1, BLK), lambda i, *_: (0, 0, i))
    len_spec = pl.BlockSpec((1, BLK), lambda i, *_: (0, i))

    grid_spec = pltpu.PrefetchScalarGridSpec(
        num_scalar_prefetch=1,
        grid=(NB,),
        in_specs=[
            ids_spec, len_spec, ids_spec, len_spec,
            full((E, V)),
            full((3 * H, E)), full((3 * H, H)), full((3 * H, 1)),
            full((3 * H, E)), full((3 * H, H)), full((3 * H, 1)),
            full((3 * H, 1)), full((3 * H, 1)),
        ],
        out_specs=pl.BlockSpec((L, H, BLK), lambda i, *_: (0, 0, i)),
        scratch_shapes=[
            pltpu.VMEM((3 * H, V), jnp.bfloat16),
            pltpu.VMEM((3 * H, V), jnp.bfloat16),
        ],
    )

    out_t = pl.pallas_call(
        _body,
        grid_spec=grid_spec,
        out_shape=jax.ShapeDtypeStruct((L, H, B), jnp.float32),
    )(maxlens, ids_e3, len_e[None, :], ids_d3, len_d[None, :], emb.T,
      w_ih_enc, w_hh_enc, b_ih_enc.reshape(3 * H, 1),
      w_ih_dec, w_hh_dec, b_ih_dec.reshape(3 * H, 1),
      b_hh_enc.reshape(3 * H, 1), b_hh_dec.reshape(3 * H, 1))
    return jnp.transpose(out_t, (2, 0, 1))

# --- scband reference (transcript-rebuilt; emitter-appended) ---
"""Pipeline reference for scband-lex-normalizer-936302871336 (READ-ONLY COPY).

The authoritative reference and input builder live on the scoring server;
editing this copy changes nothing except your own understanding.
"""

import jax, jax.numpy as jnp
import numpy as np

B, L, V, E, H = 16384, 20, 512, 64, 64

def _gru_run(x, h0, w_ih, w_hh, b_ih, b_hh, lengths):
    # x: [B, T, E]; emulates torch packed GRU: hidden frozen past each word's length,
    # outputs zero-padded past length (pad_packed_sequence behavior).
    T = x.shape[1]
    xs = jnp.swapaxes(x, 0, 1)
    ts = jnp.arange(T)
    def step(h, inp):
        x_t, t = inp
        gi = x_t @ w_ih.T + b_ih
        gh = h @ w_hh.T + b_hh
        i_r, i_z, i_n = jnp.split(gi, 3, axis=-1)
        h_r, h_z, h_nn = jnp.split(gh, 3, axis=-1)
        r = jax.nn.sigmoid(i_r + h_r)
        z = jax.nn.sigmoid(i_z + h_z)
        n = jnp.tanh(i_n + r * h_nn)
        h_new = (1.0 - z) * n + z * h
        valid = (t < lengths)[:, None]
        h_keep = jnp.where(valid, h_new, h)
        y = jnp.where(valid, h_new, jnp.zeros_like(h_new))
        return h_keep, y
    hT, ys = jax.lax.scan(step, h0, (xs, ts))
    return jnp.swapaxes(ys, 0, 1), hT

def setup_inputs(seed: int = 0):
    key = jax.random.key(seed)
    ks = jax.random.split(key, 12)
    s = 0.1
    inp = {}
    inp["input"] = jax.random.randint(ks[0], (B, L), 0, V)
    inp["output"] = jax.random.randint(ks[1], (B, L), 0, V)
    inp["input_mask"] = jnp.ones((B, L), dtype=jnp.float32)
    inp["output_mask"] = jnp.ones((B, L), dtype=jnp.float32)
    inp["input_word_len"] = jax.random.randint(ks[2], (B, 1), 1, L + 1)
    inp["output_word_len"] = jax.random.randint(ks[3], (B, 1), 1, L + 1)
    inp["emb"] = jax.random.normal(ks[4], (V, E), dtype=jnp.float32) * s
    inp["w_ih_enc"] = jax.random.normal(ks[5], (3 * H, E), dtype=jnp.float32) * s
    inp["w_hh_enc"] = jax.random.normal(ks[6], (3 * H, H), dtype=jnp.float32) * s
    inp["b_ih_enc"] = jnp.zeros((3 * H,), dtype=jnp.float32)
    inp["b_hh_enc"] = jnp.zeros((3 * H,), dtype=jnp.float32)
    inp["w_ih_dec"] = jax.random.normal(ks[7], (3 * H, E), dtype=jnp.float32) * s
    inp["w_hh_dec"] = jax.random.normal(ks[8], (3 * H, H), dtype=jnp.float32) * s
    inp["b_ih_dec"] = jnp.zeros((3 * H,), dtype=jnp.float32)
    inp["b_hh_dec"] = jnp.zeros((3 * H,), dtype=jnp.float32)
    return inp

def reference(input, output, input_mask, output_mask, input_word_len, output_word_len, emb, w_ih_enc, w_hh_enc, b_ih_enc, b_hh_enc, w_ih_dec, w_hh_dec, b_ih_dec, b_hh_dec):
    # Encoder: sort by length desc (pack_padded_sequence requirement), embed, GRU -> h_n
    in_len = input_word_len.squeeze(-1)
    perm_in = jnp.argsort(-in_len)
    inp_sorted = jnp.take(input, perm_in, axis=0)
    len_in_sorted = jnp.take(in_len, perm_in, axis=0)
    x_enc = jnp.take(emb, inp_sorted, axis=0)
    h0 = jnp.zeros((x_enc.shape[0], H), dtype=jnp.float32)
    _, h_n = _gru_run(x_enc, h0, w_ih_enc, w_hh_enc, b_ih_enc, b_hh_enc, len_in_sorted)
    # Decoder: sort target by length desc, embed with shared char embedding, GRU conditioned on h_n
    out_len = output_word_len.squeeze(-1)
    perm_out = jnp.argsort(-out_len)
    out_sorted = jnp.take(output, perm_out, axis=0)
    len_out_sorted = jnp.take(out_len, perm_out, axis=0)
    x_dec = jnp.take(emb, out_sorted, axis=0)
    dec_out, _ = _gru_run(x_dec, h_n, w_ih_dec, w_hh_dec, b_ih_dec, b_hh_dec, len_out_sorted)
    return dec_out

if __name__ == "__main__":
    import jax
    _d = setup_inputs()
    print(jax.jit(kernel)(*tuple(_d.values())))

</pallas_src>

<mosaic_0001>
module attributes {stable_mosaic.version = 14 : i64} {
  func.func @_body(%arg0: i32, %arg1: memref<8x2xi32, #tpu.memory_space<smem>>, %arg2: memref<20x1x2048xi16, #tpu.memory_space<vmem>>, %arg3: memref<1x2048xi32, #tpu.memory_space<vmem>>, %arg4: memref<20x1x2048xi16, #tpu.memory_space<vmem>>, %arg5: memref<1x2048xi32, #tpu.memory_space<vmem>>, %arg6: memref<64x512xf32, #tpu.memory_space<vmem>>, %arg7: memref<192x64xf32, #tpu.memory_space<vmem>>, %arg8: memref<192x64xf32, #tpu.memory_space<vmem>>, %arg9: memref<192x1xf32, #tpu.memory_space<vmem>>, %arg10: memref<192x64xf32, #tpu.memory_space<vmem>>, %arg11: memref<192x64xf32, #tpu.memory_space<vmem>>, %arg12: memref<192x1xf32, #tpu.memory_space<vmem>>, %arg13: memref<192x1xf32, #tpu.memory_space<vmem>>, %arg14: memref<192x1xf32, #tpu.memory_space<vmem>>, %arg15: memref<20x64x2048xf32, #tpu.memory_space<vmem>>, %arg16: memref<192x512xbf16, #tpu.memory_space<vmem>>, %arg17: memref<192x512xbf16, #tpu.memory_space<vmem>>) attributes {dimension_semantics = [#tpu.dimension_semantics<arbitrary>], iteration_bounds = array<i64: 8>, scalar_prefetch = 1 : i64, scratch_operands = 2 : i64, tpu.core_type = #tpu.core_type<tc>, window_params = [{transform_indices = @transform_0, window_bounds = array<i64: 20, 1, 2048>}, {transform_indices = @transform_1, window_bounds = array<i64: 1, 2048>}, {transform_indices = @transform_2, window_bounds = array<i64: 20, 1, 2048>}, {transform_indices = @transform_3, window_bounds = array<i64: 1, 2048>}, {pipeline_mode = #tpu.pipeline_mode<synchronous>, transform_indices = @transform_4, window_bounds = array<i64: 64, 512>}, {pipeline_mode = #tpu.pipeline_mode<synchronous>, transform_indices = @transform_5, window_bounds = array<i64: 192, 64>}, {pipeline_mode = #tpu.pipeline_mode<synchronous>, transform_indices = @transform_6, window_bounds = array<i64: 192, 64>}, {pipeline_mode = #tpu.pipeline_mode<synchronous>, transform_indices = @transform_7, window_bounds = array<i64: 192, 1>}, {pipeline_mode = #tpu.pipeline_mode<synchronous>, transform_indices = @transform_8, window_bounds = array<i64: 192, 64>}, {pipeline_mode = #tpu.pipeline_mode<synchronous>, transform_indices = @transform_9, window_bounds = array<i64: 192, 64>}, {pipeline_mode = #tpu.pipeline_mode<synchronous>, transform_indices = @transform_10, window_bounds = array<i64: 192, 1>}, {pipeline_mode = #tpu.pipeline_mode<synchronous>, transform_indices = @transform_11, window_bounds = array<i64: 192, 1>}, {pipeline_mode = #tpu.pipeline_mode<synchronous>, transform_indices = @transform_12, window_bounds = array<i64: 192, 1>}, {transform_indices = @transform_13, window_bounds = array<i64: 20, 64, 2048>}]} {
    %get3A = arith.index_cast %arg0 : i32 to index
    %get3A_0 = arith.constant 0 : index
    %get3A_1 = memref.load %arg1[%get3A, %get3A_0] : memref<8x2xi32, #tpu.memory_space<smem>>
    %get3A_2 = arith.index_cast %arg0 : i32 to index
    %get3A_3 = arith.constant 1 : index
    %get3A_4 = memref.load %arg1[%get3A_2, %get3A_3] : memref<8x2xi32, #tpu.memory_space<smem>>
    %eq3A = arith.constant 0 : i32
    %eq3A_5 = arith.cmpi eq, %arg0, %eq3A : i32
    %convert_element_type3A = arith.extui %eq3A_5 : i1 to i32
    %cond3A = arith.constant 0 : i32
    %cond3A_6 = arith.cmpi ne, %convert_element_type3A, %cond3A : i32
    scf.if %cond3A_6 {
      %get3A_87 = arith.constant 0 : index
      %get3A_88 = arith.constant 0 : index
      %get3A_89 = vector.load %arg6[%get3A_87, %get3A_88] : memref<64x512xf32, #tpu.memory_space<vmem>>, vector<64x512xf32>
      %convert_element_type3A_90 = arith.truncf %get3A_89 : vector<64x512xf32> to vector<64x512xbf16>
      %get3A_91 = arith.constant 0 : index
      %get3A_92 = arith.constant 0 : index
      %get3A_93 = vector.load %arg7[%get3A_91, %get3A_92] : memref<192x64xf32, #tpu.memory_space<vmem>>, vector<192x64xf32>
      %convert_element_type3A_94 = arith.truncf %get3A_93 : vector<192x64xf32> to vector<192x64xbf16>
      %dot_general3A = arith.constant dense<0.000000e+00> : vector<192x512xf32>
      %dot_general3A_95 = tpu.matmul %convert_element_type3A_94, %convert_element_type3A_90, %dot_general3A {dimension_numbers = #tpu.dot_dimension_numbers<[1], [0], [0], [1], [0, 0, 1, 1], [], []>, transpose_lhs_hint = false} : vector<192x64xbf16>, vector<64x512xbf16>, vector<192x512xf32> -> vector<192x512xf32>
      %get3A_96 = arith.constant 0 : index
      %get3A_97 = arith.constant 0 : index
      %get3A_98 = vector.load %arg9[%get3A_96, %get3A_97] : memref<192x1xf32, #tpu.memory_space<vmem>>, vector<192x1xf32>
      %add3A = vector.broadcast %get3A_98 : vector<192x1xf32> to vector<192x512xf32>
      %add3A_99 = arith.addf %dot_general3A_95, %add3A : vector<192x512xf32>
      %convert_element_type3A_100 = arith.truncf %add3A_99 : vector<192x512xf32> to vector<192x512xbf16>
      %swap3A_101 = arith.constant 0 : index
      %swap3A_102 = arith.constant 0 : index
      %swap3A_103 = vector.load %arg16[%swap3A_101, %swap3A_102] : memref<192x512xbf16, #tpu.memory_space<vmem>>, vector<192x512xbf16>
      tpu.vector_store %arg16[%swap3A_101, %swap3A_102], %convert_element_type3A_100 {strides = array<i32>} : memref<192x512xbf16, #tpu.memory_space<vmem>>, vector<192x512xbf16>,
      %get3A_104 = arith.constant 0 : index
      %get3A_105 = arith.constant 0 : index
      %get3A_106 = vector.load %arg10[%get3A_104, %get3A_105] : memref<192x64xf32, #tpu.memory_space<vmem>>, vector<192x64xf32>
      %convert_element_type3A_107 = arith.truncf %get3A_106 : vector<192x64xf32> to vector<192x64xbf16>
      %dot_general3A_108 = arith.constant dense<0.000000e+00> : vector<192x512xf32>
      %dot_general3A_109 = tpu.matmul %convert_element_type3A_107, %convert_element_type3A_90, %dot_general3A_108 {dimension_numbers = #tpu.dot_dimension_numbers<[1], [0], [0], [1], [0, 0, 1, 1], [], []>, transpose_lhs_hint = false} : vector<192x64xbf16>, vector<64x512xbf16>, vector<192x512xf32> -> vector<192x512xf32>
      %get3A_110 = arith.constant 0 : index
      %get3A_111 = arith.constant 0 : index
      %get3A_112 = vector.load %arg12[%get3A_110, %get3A_111] : memref<192x1xf32, #tpu.memory_space<vmem>>, vector<192x1xf32>
      %add3A_113 = vector.broadcast %get3A_112 : vector<192x1xf32> to vector<192x512xf32>
      %add3A_114 = arith.addf %dot_general3A_109, %add3A_113 : vector<192x512xf32>
      %convert_element_type3A_115 = arith.truncf %add3A_114 : vector<192x512xf32> to vector<192x512xbf16>
      %swap3A_116 = arith.constant 0 : index
      %swap3A_117 = arith.constant 0 : index
      %swap3A_118 = vector.load %arg17[%swap3A_116, %swap3A_117] : memref<192x512xbf16, #tpu.memory_space<vmem>>, vector<192x512xbf16>
      tpu.vector_store %arg17[%swap3A_116, %swap3A_117], %convert_element_type3A_115 {strides = array<i32>} : memref<192x512xbf16, #tpu.memory_space<vmem>>, vector<192x512xbf16>,
    } else {
    }
    %iota3A = tpu.iota {dimensions = array<i32: 0>} : vector<512x1xi32>
    %convert_element_type3A_7 = arith.trunci %iota3A : vector<512x1xi32> to vector<512x1xi16>
    %get3A_8 = arith.constant 0 : index
    %get3A_9 = arith.constant 0 : index
    %get3A_10 = vector.load %arg8[%get3A_8, %get3A_9] : memref<192x64xf32, #tpu.memory_space<vmem>>, vector<192x64xf32>
    %convert_element_type3A_11 = arith.truncf %get3A_10 : vector<192x64xf32> to vector<192x64xbf16>
    %get3A_12 = arith.constant 0 : index
    %get3A_13 = arith.constant 0 : index
    %get3A_14 = vector.load %arg11[%get3A_12, %get3A_13] : memref<192x64xf32, #tpu.memory_space<vmem>>, vector<192x64xf32>
    %convert_element_type3A_15 = arith.truncf %get3A_14 : vector<192x64xf32> to vector<192x64xbf16>
    %get3A_16 = arith.constant 0 : index
    %get3A_17 = arith.constant 0 : index
    %get3A_18 = vector.load %arg13[%get3A_16, %get3A_17] : memref<192x1xf32, #tpu.memory_space<vmem>>, vector<192x1xf32>
    %broadcast_in_dim3A = vector.shape_cast %get3A_18 : vector<192x1xf32> to vector<192x1xf32>
    %broadcast_in_dim3A_19 = vector.broadcast %broadcast_in_dim3A : vector<192x1xf32> to vector<192x512xf32>
    %get3A_20 = arith.constant 0 : index
    %get3A_21 = arith.constant 0 : index
    %get3A_22 = vector.load %arg14[%get3A_20, %get3A_21] : memref<192x1xf32, #tpu.memory_space<vmem>>, vector<192x1xf32>
    %broadcast_in_dim3A_23 = vector.shape_cast %get3A_22 : vector<192x1xf32> to vector<192x1xf32>
    %broadcast_in_dim3A_24 = vector.broadcast %broadcast_in_dim3A_23 : vector<192x1xf32> to vector<192x512xf32>
    %get3A_25 = arith.constant 0 : index
    %get3A_26 = arith.constant 0 : index
    %get3A_27 = vector.load %arg3[%get3A_25, %get3A_26] : memref<1x2048xi32, #tpu.memory_space<vmem>>, vector<1x512xi32>
    %get3A_28 = arith.constant 0 : index
    %get3A_29 = arith.constant 512 : index
    %get3A_30 = vector.load %arg3[%get3A_28, %get3A_29] : memref<1x2048xi32, #tpu.memory_space<vmem>>, vector<1x512xi32>
    %get3A_31 = arith.constant 0 : index
    %get3A_32 = arith.constant 1024 : index
    %get3A_33 = vector.load %arg3[%get3A_31, %get3A_32] : memref<1x2048xi32, #tpu.memory_space<vmem>>, vector<1x512xi32>
    %get3A_34 = arith.constant 0 : index
    %get3A_35 = arith.constant 1536 : index
    %get3A_36 = vector.load %arg3[%get3A_34, %get3A_35] : memref<1x2048xi32, #tpu.memory_space<vmem>>, vector<1x512xi32>
    %get3A_37 = arith.constant 0 : index
    %get3A_38 = arith.constant 0 : index
    %get3A_39 = vector.load %arg5[%get3A_37, %get3A_38] : memref<1x2048xi32, #tpu.memory_space<vmem>>, vector<1x512xi32>
    %get3A_40 = arith.constant 0 : index
    %get3A_41 = arith.constant 512 : index
    %get3A_42 = vector.load %arg5[%get3A_40, %get3A_41] : memref<1x2048xi32, #tpu.memory_space<vmem>>, vector<1x512xi32>
    %get3A_43 = arith.constant 0 : index
    %get3A_44 = arith.constant 1024 : index
    %get3A_45 = vector.load %arg5[%get3A_43, %get3A_44] : memref<1x2048xi32, #tpu.memory_space<vmem>>, vector<1x512xi32>
    %get3A_46 = arith.constant 0 : index
    %get3A_47 = arith.constant 1536 : index
    %get3A_48 = vector.load %arg5[%get3A_46, %get3A_47] : memref<1x2048xi32, #tpu.memory_space<vmem>>, vector<1x512xi32>
    %broadcast_in_dim3A_49 = arith.constant 0.000000e+00 : f32
    %broadcast_in_dim3A_50 = vector.broadcast %broadcast_in_dim3A_49 : f32 to vector<20x64x2048xf32>
    %swap3A = arith.constant 0 : index
    %swap3A_51 = arith.constant 0 : index
    %swap3A_52 = arith.constant 0 : index
    %swap3A_53 = vector.load %arg15[%swap3A, %swap3A_51, %swap3A_52] : memref<20x64x2048xf32, #tpu.memory_space<vmem>>, vector<20x64x2048xf32>
    tpu.vector_store %arg15[%swap3A, %swap3A_51, %swap3A_52], %broadcast_in_dim3A_50 {strides = array<i32>} : memref<20x64x2048xf32, #tpu.memory_space<vmem>>, vector<20x64x2048xf32>,
    %broadcast_in_dim3A_54 = arith.constant 0.000000e+00 : f32
    %broadcast_in_dim3A_55 = vector.broadcast %broadcast_in_dim3A_54 : f32 to vector<64x512xf32>
    %broadcast_in_dim3A_56 = arith.constant 0.000000e+00 : f32
    %broadcast_in_dim3A_57 = vector.broadcast %broadcast_in_dim3A_56 : f32 to vector<64x512xf32>
    %broadcast_in_dim3A_58 = arith.constant 0.000000e+00 : f32
    %broadcast_in_dim3A_59 = vector.broadcast %broadcast_in_dim3A_58 : f32 to vector<64x512xf32>
    %broadcast_in_dim3A_60 = arith.constant 0.000000e+00 : f32
    %broadcast_in_dim3A_61 = vector.broadcast %broadcast_in_dim3A_60 : f32 to vector<64x512xf32>
    %while3A = arith.constant 1.000000e+00 : bf16
    %while3A_62 = arith.constant 0.000000e+00 : bf16
    %while3A_63 = arith.constant 0 : i32
    %while3A_64 = arith.subi %get3A_1, %while3A_63 : i32
    %while3A_65 = arith.addi %while3A_63, %while3A_64 : i32
    %while3A_66 = arith.constant 1 : i32
    %while3A_67 = arith.divsi %while3A_64, %while3A_66 : i32
    %while3A_68 = arith.muli %while3A_67, %while3A_66 : i32
    %while3A_69 = arith.addi %while3A_63, %while3A_68 : i32
    %while3A_70 = arith.constant 1 : i32
    %while3A_71:4 = scf.for %while3A_87 = %while3A_63 to %while3A_69 step %while3A_70 iter_args(%while3A_88 = %broadcast_in_dim3A_55, %while3A_89 = %broadcast_in_dim3A_57, %while3A_90 = %broadcast_in_dim3A_59, %while3A_91 = %broadcast_in_dim3A_61) -> (vector<64x512xf32>, vector<64x512xf32>, vector<64x512xf32>, vector<64x512xf32>)  : i32 {
      %get3A_92 = arith.index_cast %while3A_87 : i32 to index
      %get3A_93 = arith.constant 0 : index
      %get3A_94 = arith.constant 0 : index
      %get3A_95 = vector.load %arg2[%get3A_92, %get3A_93, %get3A_94] : memref<20x1x2048xi16, #tpu.memory_space<vmem>>, vector<1x1x512xi16>
      %get3A_96 = vector.shape_cast %get3A_95 : vector<1x1x512xi16> to vector<1x512xi16>
      %eq3A_97 = vector.broadcast %get3A_96 : vector<1x512xi16> to vector<512x512xi16>
      %eq3A_98 = vector.broadcast %convert_element_type3A_7 : vector<512x1xi16> to vector<512x512xi16>
      %eq3A_99 = arith.cmpi eq, %eq3A_97, %eq3A_98 : vector<512x512xi16>
      %broadcast_in_dim3A_100 = vector.broadcast %while3A : bf16 to vector<512x512xbf16>
      %broadcast_in_dim3A_101 = vector.broadcast %while3A_62 : bf16 to vector<512x512xbf16>
      %select_n3A = arith.select %eq3A_99, %broadcast_in_dim3A_100, %broadcast_in_dim3A_101 : vector<512x512xi1>, vector<512x512xbf16>
      %get3A_102 = arith.constant 0 : index
      %get3A_103 = arith.constant 0 : index
      %get3A_104 = vector.load %arg16[%get3A_102, %get3A_103] : memref<192x512xbf16, #tpu.memory_space<vmem>>, vector<192x512xbf16>
      %dot_general3A = arith.constant dense<0.000000e+00> : vector<192x512xf32>
      %dot_general3A_105 = tpu.matmul %get3A_104, %select_n3A, %dot_general3A {dimension_numbers = #tpu.dot_dimension_numbers<[1], [0], [0], [1], [0, 0, 1, 1], [], []>, transpose_lhs_hint = false} : vector<192x512xbf16>, vector<512x512xbf16>, vector<192x512xf32> -> vector<192x512xf32>
      %convert_element_type3A_106 = arith.truncf %while3A_88 : vector<64x512xf32> to vector<64x512xbf16>
      %dot_general3A_107 = arith.constant dense<0.000000e+00> : vector<192x512xf32>
      %dot_general3A_108 = tpu.matmul %convert_element_type3A_11, %convert_element_type3A_106, %dot_general3A_107 {dimension_numbers = #tpu.dot_dimension_numbers<[1], [0], [0], [1], [0, 0, 1, 1], [], []>, transpose_lhs_hint = false} : vector<192x64xbf16>, vector<64x512xbf16>, vector<192x512xf32> -> vector<192x512xf32>
      %add3A = arith.addf %dot_general3A_108, %broadcast_in_dim3A_19 : vector<192x512xf32>
      %slice3A = vector.extract_strided_slice %dot_general3A_105 {offsets = [0, 0], sizes = [128, 512], strides = [1, 1]} : vector<192x512xf32> to vector<128x512xf32>
      %slice3A_109 = vector.extract_strided_slice %add3A {offsets = [0, 0], sizes = [128, 512], strides = [1, 1]} : vector<192x512xf32> to vector<128x512xf32>
      %add3A_110 = arith.addf %slice3A, %slice3A_109 : vector<128x512xf32>
      %mul3A = arith.constant 5.000000e-01 : f32
      %mul3A_111 = vector.broadcast %mul3A : f32 to vector<128x512xf32>
      %mul3A_112 = arith.mulf %mul3A_111, %add3A_110 : vector<128x512xf32>
      %tanh3A = math.tanh %mul3A_112 : vector<128x512xf32>
      %mul3A_113 = arith.constant 5.000000e-01 : f32
      %mul3A_114 = vector.broadcast %mul3A_113 : f32 to vector<128x512xf32>
      %mul3A_115 = arith.mulf %mul3A_114, %tanh3A : vector<128x512xf32>
      %add3A_116 = arith.constant 5.000000e-01 : f32
      %add3A_117 = vector.broadcast %add3A_116 : f32 to vector<128x512xf32>
      %add3A_118 = arith.addf %mul3A_115, %add3A_117 : vector<128x512xf32>
      %slice3A_119 = vector.extract_strided_slice %add3A_118 {offsets = [64, 0], sizes = [64, 512], strides = [1, 1]} : vector<128x512xf32> to vector<64x512xf32>
      %slice3A_120 = vector.extract_strided_slice %dot_general3A_105 {offsets = [128, 0], sizes = [64, 512], strides = [1, 1]} : vector<192x512xf32> to vector<64x512xf32>
      %slice3A_121 = vector.extract_strided_slice %add3A_118 {offsets = [0, 0], sizes = [64, 512], strides = [1, 1]} : vector<128x512xf32> to vector<64x512xf32>
      %slice3A_122 = vector.extract_strided_slice %add3A {offsets = [128, 0], sizes = [64, 512], strides = [1, 1]} : vector<192x512xf32> to vector<64x512xf32>
      %mul3A_123 = arith.mulf %slice3A_121, %slice3A_122 : vector<64x512xf32>
      %add3A_124 = arith.addf %slice3A_120, %mul3A_123 : vector<64x512xf32>
      %tanh3A_125 = math.tanh %add3A_124 : vector<64x512xf32>
      %sub3A = arith.constant 1.000000e+00 : f32
      %sub3A_126 = vector.broadcast %sub3A : f32 to vector<64x512xf32>
      %sub3A_127 = arith.subf %sub3A_126, %slice3A_119 : vector<64x512xf32>
      %mul3A_128 = arith.mulf %sub3A_127, %tanh3A_125 : vector<64x512xf32>
      %mul3A_129 = arith.mulf %slice3A_119, %while3A_88 : vector<64x512xf32>
      %add3A_130 = arith.addf %mul3A_128, %mul3A_129 : vector<64x512xf32>
      %get3A_131 = arith.index_cast %while3A_87 : i32 to index
      %get3A_132 = arith.constant 0 : index
      %get3A_133 = arith.constant 512 : index
      %get3A_134 = vector.load %arg2[%get3A_131, %get3A_132, %get3A_133] : memref<20x1x2048xi16, #tpu.memory_space<vmem>>, vector<1x1x512xi16>
      %get3A_135 = vector.shape_cast %get3A_134 : vector<1x1x512xi16> to vector<1x512xi16>
      %eq3A_136 = vector.broadcast %get3A_135 : vector<1x512xi16> to vector<512x512xi16>
      %eq3A_137 = vector.broadcast %convert_element_type3A_7 : vector<512x1xi16> to vector<512x512xi16>
      %eq3A_138 = arith.cmpi eq, %eq3A_136, %eq3A_137 : vector<512x512xi16>
      %broadcast_in_dim3A_139 = vector.broadcast %while3A : bf16 to vector<512x512xbf16>
      %broadcast_in_dim3A_140 = vector.broadcast %while3A_62 : bf16 to vector<512x512xbf16>
      %select_n3A_141 = arith.select %eq3A_138, %broadcast_in_dim3A_139, %broadcast_in_dim3A_140 : vector<512x512xi1>, vector<512x512xbf16>
      %get3A_142 = arith.constant 0 : index
      %get3A_143 = arith.constant 0 : index
      %get3A_144 = vector.load %arg16[%get3A_142, %get3A_143] : memref<192x512xbf16, #tpu.memory_space<vmem>>, vector<192x512xbf16>
      %dot_general3A_145 = arith.constant dense<0.000000e+00> : vector<192x512xf32>
      %dot_general3A_146 = tpu.matmul %get3A_144, %select_n3A_141, %dot_general3A_145 {dimension_numbers = #tpu.dot_dimension_numbers<[1], [0], [0], [1], [0, 0, 1, 1], [], []>, transpose_lhs_hint = false} : vector<192x512xbf16>, vector<512x512xbf16>, vector<192x512xf32> -> vector<192x512xf32>
      %convert_element_type3A_147 = arith.truncf %while3A_89 : vector<64x512xf32> to vector<64x512xbf16>
      %dot_general3A_148 = arith.constant dense<0.000000e+00> : vector<192x512xf32>
      %dot_general3A_149 = tpu.matmul %convert_element_type3A_11, %convert_element_type3A_147, %dot_general3A_148 {dimension_numbers = #tpu.dot_dimension_numbers<[1], [0], [0], [1], [0, 0, 1, 1], [], []>, transpose_lhs_hint = false} : vector<192x64xbf16>, vector<64x512xbf16>, vector<192x512xf32> -> vector<192x512xf32>
      %add3A_150 = arith.addf %dot_general3A_149, %broadcast_in_dim3A_19 : vector<192x512xf32>
      %slice3A_151 = vector.extract_strided_slice %dot_general3A_146 {offsets = [0, 0], sizes = [128, 512], strides = [1, 1]} : vector<192x512xf32> to vector<128x512xf32>
      %slice3A_152 = vector.extract_strided_slice %add3A_150 {offsets = [0, 0], sizes = [128, 512], strides = [1, 1]} : vector<192x512xf32> to vector<128x512xf32>
      %add3A_153 = arith.addf %slice3A_151, %slice3A_152 : vector<128x512xf32>
      %mul3A_154 = arith.constant 5.000000e-01 : f32
      %mul3A_155 = vector.broadcast %mul3A_154 : f32 to vector<128x512xf32>
      %mul3A_156 = arith.mulf %mul3A_155, %add3A_153 : vector<128x512xf32>
      %tanh3A_157 = math.tanh %mul3A_156 : vector<128x512xf32>
      %mul3A_158 = arith.constant 5.000000e-01 : f32
      %mul3A_159 = vector.broadcast %mul3A_158 : f32 to vector<128x512xf32>
      %mul3A_160 = arith.mulf %mul3A_159, %tanh3A_157 : vector<128x512xf32>
      %add3A_161 = arith.constant 5.000000e-01 : f32
      %add3A_162 = vector.broadcast %add3A_161 : f32 to vector<128x512xf32>
      %add3A_163 = arith.addf %mul3A_160, %add3A_162 : vector<128x512xf32>
      %slice3A_164 = vector.extract_strided_slice %add3A_163 {offsets = [64, 0], sizes = [64, 512], strides = [1, 1]} : vector<128x512xf32> to vector<64x512xf32>
      %slice3A_165 = vector.extract_strided_slice %dot_general3A_146 {offsets = [128, 0], sizes = [64, 512], strides = [1, 1]} : vector<192x512xf32> to vector<64x512xf32>
      %slice3A_166 = vector.extract_strided_slice %add3A_163 {offsets = [0, 0], sizes = [64, 512], strides = [1, 1]} : vector<128x512xf32> to vector<64x512xf32>
      %slice3A_167 = vector.extract_strided_slice %add3A_150 {offsets = [128, 0], sizes = [64, 512], strides = [1, 1]} : vector<192x512xf32> to vector<64x512xf32>
      %mul3A_168 = arith.mulf %slice3A_166, %slice3A_167 : vector<64x512xf32>
      %add3A_169 = arith.addf %slice3A_165, %mul3A_168 : vector<64x512xf32>
      %tanh3A_170 = math.tanh %add3A_169 : vector<64x512xf32>
      %sub3A_171 = arith.constant 1.000000e+00 : f32
      %sub3A_172 = vector.broadcast %sub3A_171 : f32 to vector<64x512xf32>
      %sub3A_173 = arith.subf %sub3A_172, %slice3A_164 : vector<64x512xf32>
      %mul3A_174 = arith.mulf %sub3A_173, %tanh3A_170 : vector<64x512xf32>
      %mul3A_175 = arith.mulf %slice3A_164, %while3A_89 : vector<64x512xf32>
      %add3A_176 = arith.addf %mul3A_174, %mul3A_175 : vector<64x512xf32>
      %get3A_177 = arith.index_cast %while3A_87 : i32 to index
      %get3A_178 = arith.constant 0 : index
      %get3A_179 = arith.constant 1024 : index
      %get3A_180 = vector.load %arg2[%get3A_177, %get3A_178, %get3A_179] : memref<20x1x2048xi16, #tpu.memory_space<vmem>>, vector<1x1x512xi16>
      %get3A_181 = vector.shape_cast %get3A_180 : vector<1x1x512xi16> to vector<1x512xi16>
      %eq3A_182 = vector.broadcast %get3A_181 : vector<1x512xi16> to vector<512x512xi16>
      %eq3A_183 = vector.broadcast %convert_element_type3A_7 : vector<512x1xi16> to vector<512x512xi16>
      %eq3A_184 = arith.cmpi eq, %eq3A_182, %eq3A_183 : vector<512x512xi16>
      %broadcast_in_dim3A_185 = vector.broadcast %while3A : bf16 to vector<512x512xbf16>
      %broadcast_in_dim3A_186 = vector.broadcast %while3A_62 : bf16 to vector<512x512xbf16>
      %select_n3A_187 = arith.select %eq3A_184, %broadcast_in_dim3A_185, %broadcast_in_dim3A_186 : vector<512x512xi1>, vector<512x512xbf16>
      %get3A_188 = arith.constant 0 : index
      %get3A_189 = arith.constant 0 : index
      %get3A_190 = vector.load %arg16[%get3A_188, %get3A_189] : memref<192x512xbf16, #tpu.memory_space<vmem>>, vector<192x512xbf16>
      %dot_general3A_191 = arith.constant dense<0.000000e+00> : vector<192x512xf32>
      %dot_general3A_192 = tpu.matmul %get3A_190, %select_n3A_187, %dot_general3A_191 {dimension_numbers = #tpu.dot_dimension_numbers<[1], [0], [0], [1], [0, 0, 1, 1], [], []>, transpose_lhs_hint = false} : vector<192x512xbf16>, vector<512x512xbf16>, vector<192x512xf32> -> vector<192x512xf32>
      %convert_element_type3A_193 = arith.truncf %while3A_90 : vector<64x512xf32> to vector<64x512xbf16>
      %dot_general3A_194 = arith.constant dense<0.000000e+00> : vector<192x512xf32>
      %dot_general3A_195 = tpu.matmul %convert_element_type3A_11, %convert_element_type3A_193, %dot_general3A_194 {dimension_numbers = #tpu.dot_dimension_numbers<[1], [0], [0], [1], [0, 0, 1, 1], [], []>, transpose_lhs_hint = false} : vector<192x64xbf16>, vector<64x512xbf16>, vector<192x512xf32> -> vector<192x512xf32>
      %add3A_196 = arith.addf %dot_general3A_195, %broadcast_in_dim3A_19 : vector<192x512xf32>
      %slice3A_197 = vector.extract_strided_slice %dot_general3A_192 {offsets = [0, 0], sizes = [128, 512], strides = [1, 1]} : vector<192x512xf32> to vector<128x512xf32>
      %slice3A_198 = vector.extract_strided_slice %add3A_196 {offsets = [0, 0], sizes = [128, 512], strides = [1, 1]} : vector<192x512xf32> to vector<128x512xf32>
      %add3A_199 = arith.addf %slice3A_197, %slice3A_198 : vector<128x512xf32>
      %mul3A_200 = arith.constant 5.000000e-01 : f32
      %mul3A_201 = vector.broadcast %mul3A_200 : f32 to vector<128x512xf32>
      %mul3A_202 = arith.mulf %mul3A_201, %add3A_199 : vector<128x512xf32>
      %tanh3A_203 = math.tanh %mul3A_202 : vector<128x512xf32>
      %mul3A_204 = arith.constant 5.000000e-01 : f32
      %mul3A_205 = vector.broadcast %mul3A_204 : f32 to vector<128x512xf32>
      %mul3A_206 = arith.mulf %mul3A_205, %tanh3A_203 : vector<128x512xf32>
      %add3A_207 = arith.constant 5.000000e-01 : f32
      %add3A_208 = vector.broadcast %add3A_207 : f32 to vector<128x512xf32>
      %add3A_209 = arith.addf %mul3A_206, %add3A_208 : vector<128x512xf32>
      %slice3A_210 = vector.extract_strided_slice %add3A_209 {offsets = [64, 0], sizes = [64, 512], strides = [1, 1]} : vector<128x512xf32> to vector<64x512xf32>
      %slice3A_211 = vector.extract_strided_slice %dot_general3A_192 {offsets = [128, 0], sizes = [64, 512], strides = [1, 1]} : vector<192x512xf32> to vector<64x512xf32>
      %slice3A_212 = vector.extract_strided_slice %add3A_209 {offsets = [0, 0], sizes = [64, 512], strides = [1, 1]} : vector<128x512xf32> to vector<64x512xf32>
      %slice3A_213 = vector.extract_strided_slice %add3A_196 {offsets = [128, 0], sizes = [64, 512], strides = [1, 1]} : vector<192x512xf32> to vector<64x512xf32>
      %mul3A_214 = arith.mulf %slice3A_212, %slice3A_213 : vector<64x512xf32>
      %add3A_215 = arith.addf %slice3A_211, %mul3A_214 : vector<64x512xf32>
      %tanh3A_216 = math.tanh %add3A_215 : vector<64x512xf32>
      %sub3A_217 = arith.constant 1.000000e+00 : f32
      %sub3A_218 = vector.broadcast %sub3A_217 : f32 to vector<64x512xf32>
      %sub3A_219 = arith.subf %sub3A_218, %slice3A_210 : vector<64x512xf32>
      %mul3A_220 = arith.mulf %sub3A_219, %tanh3A_216 : vector<64x512xf32>
      %mul3A_221 = arith.mulf %slice3A_210, %while3A_90 : vector<64x512xf32>
      %add3A_222 = arith.addf %mul3A_220, %mul3A_221 : vector<64x512xf32>
      %get3A_223 = arith.index_cast %while3A_87 : i32 to index
      %get3A_224 = arith.constant 0 : index
      %get3A_225 = arith.constant 1536 : index
      %get3A_226 = vector.load %arg2[%get3A_223, %get3A_224, %get3A_225] : memref<20x1x2048xi16, #tpu.memory_space<vmem>>, vector<1x1x512xi16>
      %get3A_227 = vector.shape_cast %get3A_226 : vector<1x1x512xi16> to vector<1x512xi16>
      %eq3A_228 = vector.broadcast %get3A_227 : vector<1x512xi16> to vector<512x512xi16>
      %eq3A_229 = vector.broadcast %convert_element_type3A_7 : vector<512x1xi16> to vector<512x512xi16>
      %eq3A_230 = arith.cmpi eq, %eq3A_228, %eq3A_229 : vector<512x512xi16>
      %broadcast_in_dim3A_231 = vector.broadcast %while3A : bf16 to vector<512x512xbf16>
      %broadcast_in_dim3A_232 = vector.broadcast %while3A_62 : bf16 to vector<512x512xbf16>
      %select_n3A_233 = arith.select %eq3A_230, %broadcast_in_dim3A_231, %broadcast_in_dim3A_232 : vector<512x512xi1>, vector<512x512xbf16>
      %get3A_234 = arith.constant 0 : index
      %get3A_235 = arith.constant 0 : index
      %get3A_236 = vector.load %arg16[%get3A_234, %get3A_235] : memref<192x512xbf16, #tpu.memory_space<vmem>>, vector<192x512xbf16>
      %dot_general3A_237 = arith.constant dense<0.000000e+00> : vector<192x512xf32>
      %dot_general3A_238 = tpu.matmul %get3A_236, %select_n3A_233, %dot_general3A_237 {dimension_numbers = #tpu.dot_dimension_numbers<[1], [0], [0], [1], [0, 0, 1, 1], [], []>, transpose_lhs_hint = false} : vector<192x512xbf16>, vector<512x512xbf16>, vector<192x512xf32> -> vector<192x512xf32>
      %convert_element_type3A_239 = arith.truncf %while3A_91 : vector<64x512xf32> to vector<64x512xbf16>
      %dot_general3A_240 = arith.constant dense<0.000000e+00> : vector<192x512xf32>
      %dot_general3A_241 = tpu.matmul %convert_element_type3A_11, %convert_element_type3A_239, %dot_general3A_240 {dimension_numbers = #tpu.dot_dimension_numbers<[1], [0], [0], [1], [0, 0, 1, 1], [], []>, transpose_lhs_hint = false} : vector<192x64xbf16>, vector<64x512xbf16>, vector<192x512xf32> -> vector<192x512xf32>
      %add3A_242 = arith.addf %dot_general3A_241, %broadcast_in_dim3A_19 : vector<192x512xf32>
      %slice3A_243 = vector.extract_strided_slice %dot_general3A_238 {offsets = [0, 0], sizes = [128, 512], strides = [1, 1]} : vector<192x512xf32> to vector<128x512xf32>
      %slice3A_244 = vector.extract_strided_slice %add3A_242 {offsets = [0, 0], sizes = [128, 512], strides = [1, 1]} : vector<192x512xf32> to vector<128x512xf32>
      %add3A_245 = arith.addf %slice3A_243, %slice3A_244 : vector<128x512xf32>
      %mul3A_246 = arith.constant 5.000000e-01 : f32
      %mul3A_247 = vector.broadcast %mul3A_246 : f32 to vector<128x512xf32>
      %mul3A_248 = arith.mulf %mul3A_247, %add3A_245 : vector<128x512xf32>
      %tanh3A_249 = math.tanh %mul3A_248 : vector<128x512xf32>
      %mul3A_250 = arith.constant 5.000000e-01 : f32
      %mul3A_251 = vector.broadcast %mul3A_250 : f32 to vector<128x512xf32>
      %mul3A_252 = arith.mulf %mul3A_251, %tanh3A_249 : vector<128x512xf32>
      %add3A_253 = arith.constant 5.000000e-01 : f32
      %add3A_254 = vector.broadcast %add3A_253 : f32 to vector<128x512xf32>
      %add3A_255 = arith.addf %mul3A_252, %add3A_254 : vector<128x512xf32>
      %slice3A_256 = vector.extract_strided_slice %add3A_255 {offsets = [64, 0], sizes = [64, 512], strides = [1, 1]} : vector<128x512xf32> to vector<64x512xf32>
      %slice3A_257 = vector.extract_strided_slice %dot_general3A_238 {offsets = [128, 0], sizes = [64, 512], strides = [1, 1]} : vector<192x512xf32> to vector<64x512xf32>
      %slice3A_258 = vector.extract_strided_slice %add3A_255 {offsets = [0, 0], sizes = [64, 512], strides = [1, 1]} : vector<128x512xf32> to vector<64x512xf32>
      %slice3A_259 = vector.extract_strided_slice %add3A_242 {offsets = [128, 0], sizes = [64, 512], strides = [1, 1]} : vector<192x512xf32> to vector<64x512xf32>
      %mul3A_260 = arith.mulf %slice3A_258, %slice3A_259 : vector<64x512xf32>
      %add3A_261 = arith.addf %slice3A_257, %mul3A_260 : vector<64x512xf32>
      %tanh3A_262 = math.tanh %add3A_261 : vector<64x512xf32>
      %sub3A_263 = arith.constant 1.000000e+00 : f32
      %sub3A_264 = vector.broadcast %sub3A_263 : f32 to vector<64x512xf32>
      %sub3A_265 = arith.subf %sub3A_264, %slice3A_256 : vector<64x512xf32>
      %mul3A_266 = arith.mulf %sub3A_265, %tanh3A_262 : vector<64x512xf32>
      %mul3A_267 = arith.mulf %slice3A_256, %while3A_91 : vector<64x512xf32>
      %add3A_268 = arith.addf %mul3A_266, %mul3A_267 : vector<64x512xf32>
      %gt3A = vector.broadcast %while3A_87 : i32 to vector<1x512xi32>
      %gt3A_269 = arith.cmpi sgt, %get3A_27, %gt3A : vector<1x512xi32>
      %broadcast_in_dim3A_270 = vector.shape_cast %gt3A_269 : vector<1x512xi1> to vector<1x512xi1>
      %broadcast_in_dim3A_271 = vector.broadcast %broadcast_in_dim3A_270 : vector<1x512xi1> to vector<64x512xi1>
      %select_n3A_272 = arith.select %broadcast_in_dim3A_271, %add3A_130, %while3A_88 : vector<64x512xi1>, vector<64x512xf32>
      %gt3A_273 = vector.broadcast %while3A_87 : i32 to vector<1x512xi32>
      %gt3A_274 = arith.cmpi sgt, %get3A_30, %gt3A_273 : vector<1x512xi32>
      %broadcast_in_dim3A_275 = vector.shape_cast %gt3A_274 : vector<1x512xi1> to vector<1x512xi1>
      %broadcast_in_dim3A_276 = vector.broadcast %broadcast_in_dim3A_275 : vector<1x512xi1> to vector<64x512xi1>
      %select_n3A_277 = arith.select %broadcast_in_dim3A_276, %add3A_176, %while3A_89 : vector<64x512xi1>, vector<64x512xf32>
      %gt3A_278 = vector.broadcast %while3A_87 : i32 to vector<1x512xi32>
      %gt3A_279 = arith.cmpi sgt, %get3A_33, %gt3A_278 : vector<1x512xi32>
      %broadcast_in_dim3A_280 = vector.shape_cast %gt3A_279 : vector<1x512xi1> to vector<1x512xi1>
      %broadcast_in_dim3A_281 = vector.broadcast %broadcast_in_dim3A_280 : vector<1x512xi1> to vector<64x512xi1>
      %select_n3A_282 = arith.select %broadcast_in_dim3A_281, %add3A_222, %while3A_90 : vector<64x512xi1>, vector<64x512xf32>
      %gt3A_283 = vector.broadcast %while3A_87 : i32 to vector<1x512xi32>
      %gt3A_284 = arith.cmpi sgt, %get3A_36, %gt3A_283 : vector<1x512xi32>
      %broadcast_in_dim3A_285 = vector.shape_cast %gt3A_284 : vector<1x512xi1> to vector<1x512xi1>
      %broadcast_in_dim3A_286 = vector.broadcast %broadcast_in_dim3A_285 : vector<1x512xi1> to vector<64x512xi1>
      %select_n3A_287 = arith.select %broadcast_in_dim3A_286, %add3A_268, %while3A_91 : vector<64x512xi1>, vector<64x512xf32>
      scf.yield %select_n3A_272, %select_n3A_277, %select_n3A_282, %select_n3A_287 : vector<64x512xf32>, vector<64x512xf32>, vector<64x512xf32>, vector<64x512xf32>
    }
    %while3A_72 = arith.constant 1 : i32
    %while3A_73:4 = scf.for %while3A_87 = %while3A_69 to %while3A_65 step %while3A_72 iter_args(%while3A_88 = %while3A_71#0, %while3A_89 = %while3A_71#1, %while3A_90 = %while3A_71#2, %while3A_91 = %while3A_71#3) -> (vector<64x512xf32>, vector<64x512xf32>, vector<64x512xf32>, vector<64x512xf32>)  : i32 {
      %get3A_92 = arith.index_cast %while3A_87 : i32 to index
      %get3A_93 = arith.constant 0 : index
      %get3A_94 = arith.constant 0 : index
      %get3A_95 = vector.load %arg2[%get3A_92, %get3A_93, %get3A_94] : memref<20x1x2048xi16, #tpu.memory_space<vmem>>, vector<1x1x512xi16>
      %get3A_96 = vector.shape_cast %get3A_95 : vector<1x1x512xi16> to vector<1x512xi16>
      %eq3A_97 = vector.broadcast %get3A_96 : vector<1x512xi16> to vector<512x512xi16>
      %eq3A_98 = vector.broadcast %convert_element_type3A_7 : vector<512x1xi16> to vector<512x512xi16>
      %eq3A_99 = arith.cmpi eq, %eq3A_97, %eq3A_98 : vector<512x512xi16>
      %broadcast_in_dim3A_100 = vector.broadcast %while3A : bf16 to vector<512x512xbf16>
      %broadcast_in_dim3A_101 = vector.broadcast %while3A_62 : bf16 to vector<512x512xbf16>
      %select_n3A = arith.select %eq3A_99, %broadcast_in_dim3A_100, %broadcast_in_dim3A_101 : vector<512x512xi1>, vector<512x512xbf16>
      %get3A_102 = arith.constant 0 : index
      %get3A_103 = arith.constant 0 : index
      %get3A_104 = vector.load %arg16[%get3A_102, %get3A_103] : memref<192x512xbf16, #tpu.memory_space<vmem>>, vector<192x512xbf16>
      %dot_general3A = arith.constant dense<0.000000e+00> : vector<192x512xf32>
      %dot_general3A_105 = tpu.matmul %get3A_104, %select_n3A, %dot_general3A {dimension_numbers = #tpu.dot_dimension_numbers<[1], [0], [0], [1], [0, 0, 1, 1], [], []>, transpose_lhs_hint = false} : vector<192x512xbf16>, vector<512x512xbf16>, vector<192x512xf32> -> vector<192x512xf32>
      %convert_element_type3A_106 = arith.truncf %while3A_88 : vector<64x512xf32> to vector<64x512xbf16>
      %dot_general3A_107 = arith.constant dense<0.000000e+00> : vector<192x512xf32>
      %dot_general3A_108 = tpu.matmul %convert_element_type3A_11, %convert_element_type3A_106, %dot_general3A_107 {dimension_numbers = #tpu.dot_dimension_numbers<[1], [0], [0], [1], [0, 0, 1, 1], [], []>, transpose_lhs_hint = false} : vector<192x64xbf16>, vector<64x512xbf16>, vector<192x512xf32> -> vector<192x512xf32>
      %add3A = arith.addf %dot_general3A_108, %broadcast_in_dim3A_19 : vector<192x512xf32>
      %slice3A = vector.extract_strided_slice %dot_general3A_105 {offsets = [0, 0], sizes = [128, 512], strides = [1, 1]} : vector<192x512xf32> to vector<128x512xf32>
      %slice3A_109 = vector.extract_strided_slice %add3A {offsets = [0, 0], sizes = [128, 512], strides = [1, 1]} : vector<192x512xf32> to vector<128x512xf32>
      %add3A_110 = arith.addf %slice3A, %slice3A_109 : vector<128x512xf32>
      %mul3A = arith.constant 5.000000e-01 : f32
      %mul3A_111 = vector.broadcast %mul3A : f32 to vector<128x512xf32>
      %mul3A_112 = arith.mulf %mul3A_111, %add3A_110 : vector<128x512xf32>
      %tanh3A = math.tanh %mul3A_112 : vector<128x512xf32>
      %mul3A_113 = arith.constant 5.000000e-01 : f32
      %mul3A_114 = vector.broadcast %mul3A_113 : f32 to vector<128x512xf32>
      %mul3A_115 = arith.mulf %mul3A_114, %tanh3A : vector<128x512xf32>
      %add3A_116 = arith.constant 5.000000e-01 : f32
      %add3A_117 = vector.broadcast %add3A_116 : f32 to vector<128x512xf32>
      %add3A_118 = arith.addf %mul3A_115, %add3A_117 : vector<128x512xf32>
      %slice3A_119 = vector.extract_strided_slice %add3A_118 {offsets = [64, 0], sizes = [64, 512], strides = [1, 1]} : vector<128x512xf32> to vector<64x512xf32>
      %slice3A_120 = vector.extract_strided_slice %dot_general3A_105 {offsets = [128, 0], sizes = [64, 512], strides = [1, 1]} : vector<192x512xf32> to vector<64x512xf32>
      %slice3A_121 = vector.extract_strided_slice %add3A_118 {offsets = [0, 0], sizes = [64, 512], strides = [1, 1]} : vector<128x512xf32> to vector<64x512xf32>
      %slice3A_122 = vector.extract_strided_slice %add3A {offsets = [128, 0], sizes = [64, 512], strides = [1, 1]} : vector<192x512xf32> to vector<64x512xf32>
      %mul3A_123 = arith.mulf %slice3A_121, %slice3A_122 : vector<64x512xf32>
      %add3A_124 = arith.addf %slice3A_120, %mul3A_123 : vector<64x512xf32>
      %tanh3A_125 = math.tanh %add3A_124 : vector<64x512xf32>
      %sub3A = arith.constant 1.000000e+00 : f32
      %sub3A_126 = vector.broadcast %sub3A : f32 to vector<64x512xf32>
      %sub3A_127 = arith.subf %sub3A_126, %slice3A_119 : vector<64x512xf32>
      %mul3A_128 = arith.mulf %sub3A_127, %tanh3A_125 : vector<64x512xf32>
      %mul3A_129 = arith.mulf %slice3A_119, %while3A_88 : vector<64x512xf32>
      %add3A_130 = arith.addf %mul3A_128, %mul3A_129 : vector<64x512xf32>
      %get3A_131 = arith.index_cast %while3A_87 : i32 to index
      %get3A_132 = arith.constant 0 : index
      %get3A_133 = arith.constant 512 : index
      %get3A_134 = vector.load %arg2[%get3A_131, %get3A_132, %get3A_133] : memref<20x1x2048xi16, #tpu.memory_space<vmem>>, vector<1x1x512xi16>
      %get3A_135 = vector.shape_cast %get3A_134 : vector<1x1x512xi16> to vector<1x512xi16>
      %eq3A_136 = vector.broadcast %get3A_135 : vector<1x512xi16> to vector<512x512xi16>
      %eq3A_137 = vector.broadcast %convert_element_type3A_7 : vector<512x1xi16> to vector<512x512xi16>
      %eq3A_138 = arith.cmpi eq, %eq3A_136, %eq3A_137 : vector<512x512xi16>
      %broadcast_in_dim3A_139 = vector.broadcast %while3A : bf16 to vector<512x512xbf16>
      %broadcast_in_dim3A_140 = vector.broadcast %while3A_62 : bf16 to vector<512x512xbf16>
      %select_n3A_141 = arith.select %eq3A_138, %broadcast_in_dim3A_139, %broadcast_in_dim3A_140 : vector<512x512xi1>, vector<512x512xbf16>
      %get3A_142 = arith.constant 0 : index
      %get3A_143 = arith.constant 0 : index
      %get3A_144 = vector.load %arg16[%get3A_142, %get3A_143] : memref<192x512xbf16, #tpu.memory_space<vmem>>, vector<192x512xbf16>
      %dot_general3A_145 = arith.constant dense<0.000000e+00> : vector<192x512xf32>
      %dot_general3A_146 = tpu.matmul %get3A_144, %select_n3A_141, %dot_general3A_145 {dimension_numbers = #tpu.dot_dimension_numbers<[1], [0], [0], [1], [0, 0, 1, 1], [], []>, transpose_lhs_hint = false} : vector<192x512xbf16>, vector<512x512xbf16>, vector<192x512xf32> -> vector<192x512xf32>
      %convert_element_type3A_147 = arith.truncf %while3A_89 : vector<64x512xf32> to vector<64x512xbf16>
      %dot_general3A_148 = arith.constant dense<0.000000e+00> : vector<192x512xf32>
      %dot_general3A_149 = tpu.matmul %convert_element_type3A_11, %convert_element_type3A_147, %dot_general3A_148 {dimension_numbers = #tpu.dot_dimension_numbers<[1], [0], [0], [1], [0, 0, 1, 1], [], []>, transpose_lhs_hint = false} : vector<192x64xbf16>, vector<64x512xbf16>, vector<192x512xf32> -> vector<192x512xf32>
      %add3A_150 = arith.addf %dot_general3A_149, %broadcast_in_dim3A_19 : vector<192x512xf32>
      %slice3A_151 = vector.extract_strided_slice %dot_general3A_146 {offsets = [0, 0], sizes = [128, 512], strides = [1, 1]} : vector<192x512xf32> to vector<128x512xf32>
      %slice3A_152 = vector.extract_strided_slice %add3A_150 {offsets = [0, 0], sizes = [128, 512], strides = [1, 1]} : vector<192x512xf32> to vector<128x512xf32>
      %add3A_153 = arith.addf %slice3A_151, %slice3A_152 : vector<128x512xf32>
      %mul3A_154 = arith.constant 5.000000e-01 : f32
      %mul3A_155 = vector.broadcast %mul3A_154 : f32 to vector<128x512xf32>
      %mul3A_156 = arith.mulf %mul3A_155, %add3A_153 : vector<128x512xf32>
      %tanh3A_157 = math.tanh %mul3A_156 : vector<128x512xf32>
      %mul3A_158 = arith.constant 5.000000e-01 : f32
      %mul3A_159 = vector.broadcast %mul3A_158 : f32 to vector<128x512xf32>
      %mul3A_160 = arith.mulf %mul3A_159, %tanh3A_157 : vector<128x512xf32>
      %add3A_161 = arith.constant 5.000000e-01 : f32
      %add3A_162 = vector.broadcast %add3A_161 : f32 to vector<128x512xf32>
      %add3A_163 = arith.addf %mul3A_160, %add3A_162 : vector<128x512xf32>
      %slice3A_164 = vector.extract_strided_slice %add3A_163 {offsets = [64, 0], sizes = [64, 512], strides = [1, 1]} : vector<128x512xf32> to vector<64x512xf32>
      %slice3A_165 = vector.extract_strided_slice %dot_general3A_146 {offsets = [128, 0], sizes = [64, 512], strides = [1, 1]} : vector<192x512xf32> to vector<64x512xf32>
      %slice3A_166 = vector.extract_strided_slice %add3A_163 {offsets = [0, 0], sizes = [64, 512], strides = [1, 1]} : vector<128x512xf32> to vector<64x512xf32>
      %slice3A_167 = vector.extract_strided_slice %add3A_150 {offsets = [128, 0], sizes = [64, 512], strides = [1, 1]} : vector<192x512xf32> to vector<64x512xf32>
      %mul3A_168 = arith.mulf %slice3A_166, %slice3A_167 : vector<64x512xf32>
      %add3A_169 = arith.addf %slice3A_165, %mul3A_168 : vector<64x512xf32>
      %tanh3A_170 = math.tanh %add3A_169 : vector<64x512xf32>
      %sub3A_171 = arith.constant 1.000000e+00 : f32
      %sub3A_172 = vector.broadcast %sub3A_171 : f32 to vector<64x512xf32>
      %sub3A_173 = arith.subf %sub3A_172, %slice3A_164 : vector<64x512xf32>
      %mul3A_174 = arith.mulf %sub3A_173, %tanh3A_170 : vector<64x512xf32>
      %mul3A_175 = arith.mulf %slice3A_164, %while3A_89 : vector<64x512xf32>
      %add3A_176 = arith.addf %mul3A_174, %mul3A_175 : vector<64x512xf32>
      %get3A_177 = arith.index_cast %while3A_87 : i32 to index
      %get3A_178 = arith.constant 0 : index
      %get3A_179 = arith.constant 1024 : index
      %get3A_180 = vector.load %arg2[%get3A_177, %get3A_178, %get3A_179] : memref<20x1x2048xi16, #tpu.memory_space<vmem>>, vector<1x1x512xi16>
      %get3A_181 = vector.shape_cast %get3A_180 : vector<1x1x512xi16> to vector<1x512xi16>
      %eq3A_182 = vector.broadcast %get3A_181 : vector<1x512xi16> to vector<512x512xi16>
      %eq3A_183 = vector.broadcast %convert_element_type3A_7 : vector<512x1xi16> to vector<512x512xi16>
      %eq3A_184 = arith.cmpi eq, %eq3A_182, %eq3A_183 : vector<512x512xi16>
      %broadcast_in_dim3A_185 = vector.broadcast %while3A : bf16 to vector<512x512xbf16>
      %broadcast_in_dim3A_186 = vector.broadcast %while3A_62 : bf16 to vector<512x512xbf16>
      %select_n3A_187 = arith.select %eq3A_184, %broadcast_in_dim3A_185, %broadcast_in_dim3A_186 : vector<512x512xi1>, vector<512x512xbf16>
      %get3A_188 = arith.constant 0 : index
      %get3A_189 = arith.constant 0 : index
      %get3A_190 = vector.load %arg16[%get3A_188, %get3A_189] : memref<192x512xbf16, #tpu.memory_space<vmem>>, vector<192x512xbf16>
      %dot_general3A_191 = arith.constant dense<0.000000e+00> : vector<192x512xf32>
      %dot_general3A_192 = tpu.matmul %get3A_190, %select_n3A_187, %dot_general3A_191 {dimension_numbers = #tpu.dot_dimension_numbers<[1], [0], [0], [1], [0, 0, 1, 1], [], []>, transpose_lhs_hint = false} : vector<192x512xbf16>, vector<512x512xbf16>, vector<192x512xf32> -> vector<192x512xf32>
      %convert_element_type3A_193 = arith.truncf %while3A_90 : vector<64x512xf32> to vector<64x512xbf16>
      %dot_general3A_194 = arith.constant dense<0.000000e+00> : vector<192x512xf32>
      %dot_general3A_195 = tpu.matmul %convert_element_type3A_11, %convert_element_type3A_193, %dot_general3A_194 {dimension_numbers = #tpu.dot_dimension_numbers<[1], [0], [0], [1], [0, 0, 1, 1], [], []>, transpose_lhs_hint = false} : vector<192x64xbf16>, vector<64x512xbf16>, vector<192x512xf32> -> vector<192x512xf32>
      %add3A_196 = arith.addf %dot_general3A_195, %broadcast_in_dim3A_19 : vector<192x512xf32>
      %slice3A_197 = vector.extract_strided_slice %dot_general3A_192 {offsets = [0, 0], sizes = [128, 512], strides = [1, 1]} : vector<192x512xf32> to vector<128x512xf32>
      %slice3A_198 = vector.extract_strided_slice %add3A_196 {offsets = [0, 0], sizes = [128, 512], strides = [1, 1]} : vector<192x512xf32> to vector<128x512xf32>
      %add3A_199 = arith.addf %slice3A_197, %slice3A_198 : vector<128x512xf32>
      %mul3A_200 = arith.constant 5.000000e-01 : f32
      %mul3A_201 = vector.broadcast %mul3A_200 : f32 to vector<128x512xf32>
      %mul3A_202 = arith.mulf %mul3A_201, %add3A_199 : vector<128x512xf32>
      %tanh3A_203 = math.tanh %mul3A_202 : vector<128x512xf32>
      %mul3A_204 = arith.constant 5.000000e-01 : f32
      %mul3A_205 = vector.broadcast %mul3A_204 : f32 to vector<128x512xf32>
      %mul3A_206 = arith.mulf %mul3A_205, %tanh3A_203 : vector<128x512xf32>
      %add3A_207 = arith.constant 5.000000e-01 : f32
      %add3A_208 = vector.broadcast %add3A_207 : f32 to vector<128x512xf32>
      %add3A_209 = arith.addf %mul3A_206, %add3A_208 : vector<128x512xf32>
      %slice3A_210 = vector.extract_strided_slice %add3A_209 {offsets = [64, 0], sizes = [64, 512], strides = [1, 1]} : vector<128x512xf32> to vector<64x512xf32>
      %slice3A_211 = vector.extract_strided_slice %dot_general3A_192 {offsets = [128, 0], sizes = [64, 512], strides = [1, 1]} : vector<192x512xf32> to vector<64x512xf32>
      %slice3A_212 = vector.extract_strided_slice %add3A_209 {offsets = [0, 0], sizes = [64, 512], strides = [1, 1]} : vector<128x512xf32> to vector<64x512xf32>
      %slice3A_213 = vector.extract_strided_slice %add3A_196 {offsets = [128, 0], sizes = [64, 512], strides = [1, 1]} : vector<192x512xf32> to vector<64x512xf32>
      %mul3A_214 = arith.mulf %slice3A_212, %slice3A_213 : vector<64x512xf32>
      %add3A_215 = arith.addf %slice3A_211, %mul3A_214 : vector<64x512xf32>
      %tanh3A_216 = math.tanh %add3A_215 : vector<64x512xf32>
      %sub3A_217 = arith.constant 1.000000e+00 : f32
      %sub3A_218 = vector.broadcast %sub3A_217 : f32 to vector<64x512xf32>
      %sub3A_219 = arith.subf %sub3A_218, %slice3A_210 : vector<64x512xf32>
      %mul3A_220 = arith.mulf %sub3A_219, %tanh3A_216 : vector<64x512xf32>
      %mul3A_221 = arith.mulf %slice3A_210, %while3A_90 : vector<64x512xf32>
      %add3A_222 = arith.addf %mul3A_220, %mul3A_221 : vector<64x512xf32>
      %get3A_223 = arith.index_cast %while3A_87 : i32 to index
      %get3A_224 = arith.constant 0 : index
      %get3A_225 = arith.constant 1536 : index
      %get3A_226 = vector.load %arg2[%get3A_223, %get3A_224, %get3A_225] : memref<20x1x2048xi16, #tpu.memory_space<vmem>>, vector<1x1x512xi16>
      %get3A_227 = vector.shape_cast %get3A_226 : vector<1x1x512xi16> to vector<1x512xi16>
      %eq3A_228 = vector.broadcast %get3A_227 : vector<1x512xi16> to vector<512x512xi16>
      %eq3A_229 = vector.broadcast %convert_element_type3A_7 : vector<512x1xi16> to vector<512x512xi16>
      %eq3A_230 = arith.cmpi eq, %eq3A_228, %eq3A_229 : vector<512x512xi16>
      %broadcast_in_dim3A_231 = vector.broadcast %while3A : bf16 to vector<512x512xbf16>
      %broadcast_in_dim3A_232 = vector.broadcast %while3A_62 : bf16 to vector<512x512xbf16>
      %select_n3A_233 = arith.select %eq3A_230, %broadcast_in_dim3A_231, %broadcast_in_dim3A_232 : vector<512x512xi1>, vector<512x512xbf16>
      %get3A_234 = arith.constant 0 : index
      %get3A_235 = arith.constant 0 : index
      %get3A_236 = vector.load %arg16[%get3A_234, %get3A_235] : memref<192x512xbf16, #tpu.memory_space<vmem>>, vector<192x512xbf16>
      %dot_general3A_237 = arith.constant dense<0.000000e+00> : vector<192x512xf32>
      %dot_general3A_238 = tpu.matmul %get3A_236, %select_n3A_233, %dot_general3A_237 {dimension_numbers = #tpu.dot_dimension_numbers<[1], [0], [0], [1], [0, 0, 1, 1], [], []>, transpose_lhs_hint = false} : vector<192x512xbf16>, vector<512x512xbf16>, vector<192x512xf32> -> vector<192x512xf32>
      %convert_element_type3A_239 = arith.truncf %while3A_91 : vector<64x512xf32> to vector<64x512xbf16>
      %dot_general3A_240 = arith.constant dense<0.000000e+00> : vector<192x512xf32>
      %dot_general3A_241 = tpu.matmul %convert_element_type3A_11, %convert_element_type3A_239, %dot_general3A_240 {dimension_numbers = #tpu.dot_dimension_numbers<[1], [0], [0], [1], [0, 0, 1, 1], [], []>, transpose_lhs_hint = false} : vector<192x64xbf16>, vector<64x512xbf16>, vector<192x512xf32> -> vector<192x512xf32>
      %add3A_242 = arith.addf %dot_general3A_241, %broadcast_in_dim3A_19 : vector<192x512xf32>
      %slice3A_243 = vector.extract_strided_slice %dot_general3A_238 {offsets = [0, 0], sizes = [128, 512], strides = [1, 1]} : vector<192x512xf32> to vector<128x512xf32>
      %slice3A_244 = vector.extract_strided_slice %add3A_242 {offsets = [0, 0], sizes = [128, 512], strides = [1, 1]} : vector<192x512xf32> to vector<128x512xf32>
      %add3A_245 = arith.addf %slice3A_243, %slice3A_244 : vector<128x512xf32>
      %mul3A_246 = arith.constant 5.000000e-01 : f32
      %mul3A_247 = vector.broadcast %mul3A_246 : f32 to vector<128x512xf32>
      %mul3A_248 = arith.mulf %mul3A_247, %add3A_245 : vector<128x512xf32>
      %tanh3A_249 = math.tanh %mul3A_248 : vector<128x512xf32>
      %mul3A_250 = arith.constant 5.000000e-01 : f32
      %mul3A_251 = vector.broadcast %mul3A_250 : f32 to vector<128x512xf32>
      %mul3A_252 = arith.mulf %mul3A_251, %tanh3A_249 : vector<128x512xf32>
      %add3A_253 = arith.constant 5.000000e-01 : f32
      %add3A_254 = vector.broadcast %add3A_253 : f32 to vector<128x512xf32>
      %add3A_255 = arith.addf %mul3A_252, %add3A_254 : vector<128x512xf32>
      %slice3A_256 = vector.extract_strided_slice %add3A_255 {offsets = [64, 0], sizes = [64, 512], strides = [1, 1]} : vector<128x512xf32> to vector<64x512xf32>
      %slice3A_257 = vector.extract_strided_slice %dot_general3A_238 {offsets = [128, 0], sizes = [64, 512], strides = [1, 1]} : vector<192x512xf32> to vector<64x512xf32>
      %slice3A_258 = vector.extract_strided_slice %add3A_255 {offsets = [0, 0], sizes = [64, 512], strides = [1, 1]} : vector<128x512xf32> to vector<64x512xf32>
      %slice3A_259 = vector.extract_strided_slice %add3A_242 {offsets = [128, 0], sizes = [64, 512], strides = [1, 1]} : vector<192x512xf32> to vector<64x512xf32>
      %mul3A_260 = arith.mulf %slice3A_258, %slice3A_259 : vector<64x512xf32>
      %add3A_261 = arith.addf %slice3A_257, %mul3A_260 : vector<64x512xf32>
      %tanh3A_262 = math.tanh %add3A_261 : vector<64x512xf32>
      %sub3A_263 = arith.constant 1.000000e+00 : f32
      %sub3A_264 = vector.broadcast %sub3A_263 : f32 to vector<64x512xf32>
      %sub3A_265 = arith.subf %sub3A_264, %slice3A_256 : vector<64x512xf32>
      %mul3A_266 = arith.mulf %sub3A_265, %tanh3A_262 : vector<64x512xf32>
      %mul3A_267 = arith.mulf %slice3A_256, %while3A_91 : vector<64x512xf32>
      %add3A_268 = arith.addf %mul3A_266, %mul3A_267 : vector<64x512xf32>
      %gt3A = vector.broadcast %while3A_87 : i32 to vector<1x512xi32>
      %gt3A_269 = arith.cmpi sgt, %get3A_27, %gt3A : vector<1x512xi32>
      %broadcast_in_dim3A_270 = vector.shape_cast %gt3A_269 : vector<1x512xi1> to vector<1x512xi1>
      %broadcast_in_dim3A_271 = vector.broadcast %broadcast_in_dim3A_270 : vector<1x512xi1> to vector<64x512xi1>
      %select_n3A_272 = arith.select %broadcast_in_dim3A_271, %add3A_130, %while3A_88 : vector<64x512xi1>, vector<64x512xf32>
      %gt3A_273 = vector.broadcast %while3A_87 : i32 to vector<1x512xi32>
      %gt3A_274 = arith.cmpi sgt, %get3A_30, %gt3A_273 : vector<1x512xi32>
      %broadcast_in_dim3A_275 = vector.shape_cast %gt3A_274 : vector<1x512xi1> to vector<1x512xi1>
      %broadcast_in_dim3A_276 = vector.broadcast %broadcast_in_dim3A_275 : vector<1x512xi1> to vector<64x512xi1>
      %select_n3A_277 = arith.select %broadcast_in_dim3A_276, %add3A_176, %while3A_89 : vector<64x512xi1>, vector<64x512xf32>
      %gt3A_278 = vector.broadcast %while3A_87 : i32 to vector<1x512xi32>
      %gt3A_279 = arith.cmpi sgt, %get3A_33, %gt3A_278 : vector<1x512xi32>
      %broadcast_in_dim3A_280 = vector.shape_cast %gt3A_279 : vector<1x512xi1> to vector<1x512xi1>
      %broadcast_in_dim3A_281 = vector.broadcast %broadcast_in_dim3A_280 : vector<1x512xi1> to vector<64x512xi1>
      %select_n3A_282 = arith.select %broadcast_in_dim3A_281, %add3A_222, %while3A_90 : vector<64x512xi1>, vector<64x512xf32>
      %gt3A_283 = vector.broadcast %while3A_87 : i32 to vector<1x512xi32>
      %gt3A_284 = arith.cmpi sgt, %get3A_36, %gt3A_283 : vector<1x512xi32>
      %broadcast_in_dim3A_285 = vector.shape_cast %gt3A_284 : vector<1x512xi1> to vector<1x512xi1>
      %broadcast_in_dim3A_286 = vector.broadcast %broadcast_in_dim3A_285 : vector<1x512xi1> to vector<64x512xi1>
      %select_n3A_287 = arith.select %broadcast_in_dim3A_286, %add3A_268, %while3A_91 : vector<64x512xi1>, vector<64x512xf32>
      scf.yield %select_n3A_272, %select_n3A_277, %select_n3A_282, %select_n3A_287 : vector<64x512xf32>, vector<64x512xf32>, vector<64x512xf32>, vector<64x512xf32>
    }
    %while3A_74 = arith.constant 1.000000e+00 : bf16
    %while3A_75 = arith.constant 0.000000e+00 : bf16
    %while3A_76 = arith.constant 0 : i32
    %while3A_77 = arith.subi %get3A_4, %while3A_76 : i32
    %while3A_78 = arith.addi %while3A_76, %while3A_77 : i32
    %while3A_79 = arith.constant 1 : i32
    %while3A_80 = arith.divsi %while3A_77, %while3A_79 : i32
    %while3A_81 = arith.muli %while3A_80, %while3A_79 : i32
    %while3A_82 = arith.addi %while3A_76, %while3A_81 : i32
    %while3A_83 = arith.constant 1 : i32
    %while3A_84:4 = scf.for %while3A_87 = %while3A_76 to %while3A_82 step %while3A_83 iter_args(%while3A_88 = %while3A_73#0, %while3A_89 = %while3A_73#1, %while3A_90 = %while3A_73#2, %while3A_91 = %while3A_73#3) -> (vector<64x512xf32>, vector<64x512xf32>, vector<64x512xf32>, vector<64x512xf32>)  : i32 {
      %get3A_92 = arith.index_cast %while3A_87 : i32 to index
      %get3A_93 = arith.constant 0 : index
      %get3A_94 = arith.constant 0 : index
      %get3A_95 = vector.load %arg4[%get3A_92, %get3A_93, %get3A_94] : memref<20x1x2048xi16, #tpu.memory_space<vmem>>, vector<1x1x512xi16>
      %get3A_96 = vector.shape_cast %get3A_95 : vector<1x1x512xi16> to vector<1x512xi16>
      %eq3A_97 = vector.broadcast %get3A_96 : vector<1x512xi16> to vector<512x512xi16>
      %eq3A_98 = vector.broadcast %convert_element_type3A_7 : vector<512x1xi16> to vector<512x512xi16>
      %eq3A_99 = arith.cmpi eq, %eq3A_97, %eq3A_98 : vector<512x512xi16>
      %broadcast_in_dim3A_100 = vector.broadcast %while3A_74 : bf16 to vector<512x512xbf16>
      %broadcast_in_dim3A_101 = vector.broadcast %while3A_75 : bf16 to vector<512x512xbf16>
      %select_n3A = arith.select %eq3A_99, %broadcast_in_dim3A_100, %broadcast_in_dim3A_101 : vector<512x512xi1>, vector<512x512xbf16>
      %get3A_102 = arith.constant 0 : index
      %get3A_103 = arith.constant 0 : index
      %get3A_104 = vector.load %arg17[%get3A_102, %get3A_103] : memref<192x512xbf16, #tpu.memory_space<vmem>>, vector<192x512xbf16>
      %dot_general3A = arith.constant dense<0.000000e+00> : vector<192x512xf32>
      %dot_general3A_105 = tpu.matmul %get3A_104, %select_n3A, %dot_general3A {dimension_numbers = #tpu.dot_dimension_numbers<[1], [0], [0], [1], [0, 0, 1, 1], [], []>, transpose_lhs_hint = false} : vector<192x512xbf16>, vector<512x512xbf16>, vector<192x512xf32> -> vector<192x512xf32>
      %convert_element_type3A_106 = arith.truncf %while3A_88 : vector<64x512xf32> to vector<64x512xbf16>
      %dot_general3A_107 = arith.constant dense<0.000000e+00> : vector<192x512xf32>
      %dot_general3A_108 = tpu.matmul %convert_element_type3A_15, %convert_element_type3A_106, %dot_general3A_107 {dimension_numbers = #tpu.dot_dimension_numbers<[1], [0], [0], [1], [0, 0, 1, 1], [], []>, transpose_lhs_hint = false} : vector<192x64xbf16>, vector<64x512xbf16>, vector<192x512xf32> -> vector<192x512xf32>
      %add3A = arith.addf %dot_general3A_108, %broadcast_in_dim3A_24 : vector<192x512xf32>
      %slice3A = vector.extract_strided_slice %dot_general3A_105 {offsets = [0, 0], sizes = [128, 512], strides = [1, 1]} : vector<192x512xf32> to vector<128x512xf32>
      %slice3A_109 = vector.extract_strided_slice %add3A {offsets = [0, 0], sizes = [128, 512], strides = [1, 1]} : vector<192x512xf32> to vector<128x512xf32>
      %add3A_110 = arith.addf %slice3A, %slice3A_109 : vector<128x512xf32>
      %mul3A = arith.constant 5.000000e-01 : f32
      %mul3A_111 = vector.broadcast %mul3A : f32 to vector<128x512xf32>
      %mul3A_112 = arith.mulf %mul3A_111, %add3A_110 : vector<128x512xf32>
      %tanh3A = math.tanh %mul3A_112 : vector<128x512xf32>
      %mul3A_113 = arith.constant 5.000000e-01 : f32
      %mul3A_114 = vector.broadcast %mul3A_113 : f32 to vector<128x512xf32>
      %mul3A_115 = arith.mulf %mul3A_114, %tanh3A : vector<128x512xf32>
      %add3A_116 = arith.constant 5.000000e-01 : f32
      %add3A_117 = vector.broadcast %add3A_116 : f32 to vector<128x512xf32>
      %add3A_118 = arith.addf %mul3A_115, %add3A_117 : vector<128x512xf32>
      %slice3A_119 = vector.extract_strided_slice %add3A_118 {offsets = [64, 0], sizes = [64, 512], strides = [1, 1]} : vector<128x512xf32> to vector<64x512xf32>
      %slice3A_120 = vector.extract_strided_slice %dot_general3A_105 {offsets = [128, 0], sizes = [64, 512], strides = [1, 1]} : vector<192x512xf32> to vector<64x512xf32>
      %slice3A_121 = vector.extract_strided_slice %add3A_118 {offsets = [0, 0], sizes = [64, 512], strides = [1, 1]} : vector<128x512xf32> to vector<64x512xf32>
      %slice3A_122 = vector.extract_strided_slice %add3A {offsets = [128, 0], sizes = [64, 512], strides = [1, 1]} : vector<192x512xf32> to vector<64x512xf32>
      %mul3A_123 = arith.mulf %slice3A_121, %slice3A_122 : vector<64x512xf32>
      %add3A_124 = arith.addf %slice3A_120, %mul3A_123 : vector<64x512xf32>
      %tanh3A_125 = math.tanh %add3A_124 : vector<64x512xf32>
      %sub3A = arith.constant 1.000000e+00 : f32
      %sub3A_126 = vector.broadcast %sub3A : f32 to vector<64x512xf32>
      %sub3A_127 = arith.subf %sub3A_126, %slice3A_119 : vector<64x512xf32>
      %mul3A_128 = arith.mulf %sub3A_127, %tanh3A_125 : vector<64x512xf32>
      %mul3A_129 = arith.mulf %slice3A_119, %while3A_88 : vector<64x512xf32>
      %add3A_130 = arith.addf %mul3A_128, %mul3A_129 : vector<64x512xf32>
      %get3A_131 = arith.index_cast %while3A_87 : i32 to index
      %get3A_132 = arith.constant 0 : index
      %get3A_133 = arith.constant 512 : index
      %get3A_134 = vector.load %arg4[%get3A_131, %get3A_132, %get3A_133] : memref<20x1x2048xi16, #tpu.memory_space<vmem>>, vector<1x1x512xi16>
      %get3A_135 = vector.shape_cast %get3A_134 : vector<1x1x512xi16> to vector<1x512xi16>
      %eq3A_136 = vector.broadcast %get3A_135 : vector<1x512xi16> to vector<512x512xi16>
      %eq3A_137 = vector.broadcast %convert_element_type3A_7 : vector<512x1xi16> to vector<512x512xi16>
      %eq3A_138 = arith.cmpi eq, %eq3A_136, %eq3A_137 : vector<512x512xi16>
      %broadcast_in_dim3A_139 = vector.broadcast %while3A_74 : bf16 to vector<512x512xbf16>
      %broadcast_in_dim3A_140 = vector.broadcast %while3A_75 : bf16 to vector<512x512xbf16>
      %select_n3A_141 = arith.select %eq3A_138, %broadcast_in_dim3A_139, %broadcast_in_dim3A_140 : vector<512x512xi1>, vector<512x512xbf16>
      %get3A_142 = arith.constant 0 : index
      %get3A_143 = arith.constant 0 : index
      %get3A_144 = vector.load %arg17[%get3A_142, %get3A_143] : memref<192x512xbf16, #tpu.memory_space<vmem>>, vector<192x512xbf16>
      %dot_general3A_145 = arith.constant dense<0.000000e+00> : vector<192x512xf32>
      %dot_general3A_146 = tpu.matmul %get3A_144, %select_n3A_141, %dot_general3A_145 {dimension_numbers = #tpu.dot_dimension_numbers<[1], [0], [0], [1], [0, 0, 1, 1], [], []>, transpose_lhs_hint = false} : vector<192x512xbf16>, vector<512x512xbf16>, vector<192x512xf32> -> vector<192x512xf32>
      %convert_element_type3A_147 = arith.truncf %while3A_89 : vector<64x512xf32> to vector<64x512xbf16>
      %dot_general3A_148 = arith.constant dense<0.000000e+00> : vector<192x512xf32>
      %dot_general3A_149 = tpu.matmul %convert_element_type3A_15, %convert_element_type3A_147, %dot_general3A_148 {dimension_numbers = #tpu.dot_dimension_numbers<[1], [0], [0], [1], [0, 0, 1, 1], [], []>, transpose_lhs_hint = false} : vector<192x64xbf16>, vector<64x512xbf16>, vector<192x512xf32> -> vector<192x512xf32>
      %add3A_150 = arith.addf %dot_general3A_149, %broadcast_in_dim3A_24 : vector<192x512xf32>
      %slice3A_151 = vector.extract_strided_slice %dot_general3A_146 {offsets = [0, 0], sizes = [128, 512], strides = [1, 1]} : vector<192x512xf32> to vector<128x512xf32>
      %slice3A_152 = vector.extract_strided_slice %add3A_150 {offsets = [0, 0], sizes = [128, 512], strides = [1, 1]} : vector<192x512xf32> to vector<128x512xf32>
      %add3A_153 = arith.addf %slice3A_151, %slice3A_152 : vector<128x512xf32>
      %mul3A_154 = arith.constant 5.000000e-01 : f32
      %mul3A_155 = vector.broadcast %mul3A_154 : f32 to vector<128x512xf32>
      %mul3A_156 = arith.mulf %mul3A_155, %add3A_153 : vector<128x512xf32>
      %tanh3A_157 = math.tanh %mul3A_156 : vector<128x512xf32>
      %mul3A_158 = arith.constant 5.000000e-01 : f32
      %mul3A_159 = vector.broadcast %mul3A_158 : f32 to vector<128x512xf32>
      %mul3A_160 = arith.mulf %mul3A_159, %tanh3A_157 : vector<128x512xf32>
      %add3A_161 = arith.constant 5.000000e-01 : f32
      %add3A_162 = vector.broadcast %add3A_161 : f32 to vector<128x512xf32>
      %add3A_163 = arith.addf %mul3A_160, %add3A_162 : vector<128x512xf32>
      %slice3A_164 = vector.extract_strided_slice %add3A_163 {offsets = [64, 0], sizes = [64, 512], strides = [1, 1]} : vector<128x512xf32> to vector<64x512xf32>
      %slice3A_165 = vector.extract_strided_slice %dot_general3A_146 {offsets = [128, 0], sizes = [64, 512], strides = [1, 1]} : vector<192x512xf32> to vector<64x512xf32>
      %slice3A_166 = vector.extract_strided_slice %add3A_163 {offsets = [0, 0], sizes = [64, 512], strides = [1, 1]} : vector<128x512xf32> to vector<64x512xf32>
      %slice3A_167 = vector.extract_strided_slice %add3A_150 {offsets = [128, 0], sizes = [64, 512], strides = [1, 1]} : vector<192x512xf32> to vector<64x512xf32>
      %mul3A_168 = arith.mulf %slice3A_166, %slice3A_167 : vector<64x512xf32>
      %add3A_169 = arith.addf %slice3A_165, %mul3A_168 : vector<64x512xf32>
      %tanh3A_170 = math.tanh %add3A_169 : vector<64x512xf32>
      %sub3A_171 = arith.constant 1.000000e+00 : f32
      %sub3A_172 = vector.broadcast %sub3A_171 : f32 to vector<64x512xf32>
      %sub3A_173 = arith.subf %sub3A_172, %slice3A_164 : vector<64x512xf32>
      %mul3A_174 = arith.mulf %sub3A_173, %tanh3A_170 : vector<64x512xf32>
      %mul3A_175 = arith.mulf %slice3A_164, %while3A_89 : vector<64x512xf32>
      %add3A_176 = arith.addf %mul3A_174, %mul3A_175 : vector<64x512xf32>
      %get3A_177 = arith.index_cast %while3A_87 : i32 to index
      %get3A_178 = arith.constant 0 : index
      %get3A_179 = arith.constant 1024 : index
      %get3A_180 = vector.load %arg4[%get3A_177, %get3A_178, %get3A_179] : memref<20x1x2048xi16, #tpu.memory_space<vmem>>, vector<1x1x512xi16>
      %get3A_181 = vector.shape_cast %get3A_180 : vector<1x1x512xi16> to vector<1x512xi16>
      %eq3A_182 = vector.broadcast %get3A_181 : vector<1x512xi16> to vector<512x512xi16>
      %eq3A_183 = vector.broadcast %convert_element_type3A_7 : vector<512x1xi16> to vector<512x512xi16>
      %eq3A_184 = arith.cmpi eq, %eq3A_182, %eq3A_183 : vector<512x512xi16>
      %broadcast_in_dim3A_185 = vector.broadcast %while3A_74 : bf16 to vector<512x512xbf16>
      %broadcast_in_dim3A_186 = vector.broadcast %while3A_75 : bf16 to vector<512x512xbf16>
      %select_n3A_187 = arith.select %eq3A_184, %broadcast_in_dim3A_185, %broadcast_in_dim3A_186 : vector<512x512xi1>, vector<512x512xbf16>
      %get3A_188 = arith.constant 0 : index
      %get3A_189 = arith.constant 0 : index
      %get3A_190 = vector.load %arg17[%get3A_188, %get3A_189] : memref<192x512xbf16, #tpu.memory_space<vmem>>, vector<192x512xbf16>
      %dot_general3A_191 = arith.constant dense<0.000000e+00> : vector<192x512xf32>
      %dot_general3A_192 = tpu.matmul %get3A_190, %select_n3A_187, %dot_general3A_191 {dimension_numbers = #tpu.dot_dimension_numbers<[1], [0], [0], [1], [0, 0, 1, 1], [], []>, transpose_lhs_hint = false} : vector<192x512xbf16>, vector<512x512xbf16>, vector<192x512xf32> -> vector<192x512xf32>
      %convert_element_type3A_193 = arith.truncf %while3A_90 : vector<64x512xf32> to vector<64x512xbf16>
      %dot_general3A_194 = arith.constant dense<0.000000e+00> : vector<192x512xf32>
      %dot_general3A_195 = tpu.matmul %convert_element_type3A_15, %convert_element_type3A_193, %dot_general3A_194 {dimension_numbers = #tpu.dot_dimension_numbers<[1], [0], [0], [1], [0, 0, 1, 1], [], []>, transpose_lhs_hint = false} : vector<192x64xbf16>, vector<64x512xbf16>, vector<192x512xf32> -> vector<192x512xf32>
      %add3A_196 = arith.addf %dot_general3A_195, %broadcast_in_dim3A_24 : vector<192x512xf32>
      %slice3A_197 = vector.extract_strided_slice %dot_general3A_192 {offsets = [0, 0], sizes = [128, 512], strides = [1, 1]} : vector<192x512xf32> to vector<128x512xf32>
      %slice3A_198 = vector.extract_strided_slice %add3A_196 {offsets = [0, 0], sizes = [128, 512], strides = [1, 1]} : vector<192x512xf32> to vector<128x512xf32>
      %add3A_199 = arith.addf %slice3A_197, %slice3A_198 : vector<128x512xf32>
      %mul3A_200 = arith.constant 5.000000e-01 : f32
      %mul3A_201 = vector.broadcast %mul3A_200 : f32 to vector<128x512xf32>
      %mul3A_202 = arith.mulf %mul3A_201, %add3A_199 : vector<128x512xf32>
      %tanh3A_203 = math.tanh %mul3A_202 : vector<128x512xf32>
      %mul3A_204 = arith.constant 5.000000e-01 : f32
      %mul3A_205 = vector.broadcast %mul3A_204 : f32 to vector<128x512xf32>
      %mul3A_206 = arith.mulf %mul3A_205, %tanh3A_203 : vector<128x512xf32>
      %add3A_207 = arith.constant 5.000000e-01 : f32
      %add3A_208 = vector.broadcast %add3A_207 : f32 to vector<128x512xf32>
      %add3A_209 = arith.addf %mul3A_206, %add3A_208 : vector<128x512xf32>
      %slice3A_210 = vector.extract_strided_slice %add3A_209 {offsets = [64, 0], sizes = [64, 512], strides = [1, 1]} : vector<128x512xf32> to vector<64x512xf32>
      %slice3A_211 = vector.extract_strided_slice %dot_general3A_192 {offsets = [128, 0], sizes = [64, 512], strides = [1, 1]} : vector<192x512xf32> to vector<64x512xf32>
      %slice3A_212 = vector.extract_strided_slice %add3A_209 {offsets = [0, 0], sizes = [64, 512], strides = [1, 1]} : vector<128x512xf32> to vector<64x512xf32>
      %slice3A_213 = vector.extract_strided_slice %add3A_196 {offsets = [128, 0], sizes = [64, 512], strides = [1, 1]} : vector<192x512xf32> to vector<64x512xf32>
      %mul3A_214 = arith.mulf %slice3A_212, %slice3A_213 : vector<64x512xf32>
      %add3A_215 = arith.addf %slice3A_211, %mul3A_214 : vector<64x512xf32>
      %tanh3A_216 = math.tanh %add3A_215 : vector<64x512xf32>
      %sub3A_217 = arith.constant 1.000000e+00 : f32
      %sub3A_218 = vector.broadcast %sub3A_217 : f32 to vector<64x512xf32>
      %sub3A_219 = arith.subf %sub3A_218, %slice3A_210 : vector<64x512xf32>
      %mul3A_220 = arith.mulf %sub3A_219, %tanh3A_216 : vector<64x512xf32>
      %mul3A_221 = arith.mulf %slice3A_210, %while3A_90 : vector<64x512xf32>
      %add3A_222 = arith.addf %mul3A_220, %mul3A_221 : vector<64x512xf32>
      %get3A_223 = arith.index_cast %while3A_87 : i32 to index
      %get3A_224 = arith.constant 0 : index
      %get3A_225 = arith.constant 1536 : index
      %get3A_226 = vector.load %arg4[%get3A_223, %get3A_224, %get3A_225] : memref<20x1x2048xi16, #tpu.memory_space<vmem>>, vector<1x1x512xi16>
      %get3A_227 = vector.shape_cast %get3A_226 : vector<1x1x512xi16> to vector<1x512xi16>
      %eq3A_228 = vector.broadcast %get3A_227 : vector<1x512xi16> to vector<512x512xi16>
      %eq3A_229 = vector.broadcast %convert_element_type3A_7 : vector<512x1xi16> to vector<512x512xi16>
      %eq3A_230 = arith.cmpi eq, %eq3A_228, %eq3A_229 : vector<512x512xi16>
      %broadcast_in_dim3A_231 = vector.broadcast %while3A_74 : bf16 to vector<512x512xbf16>
      %broadcast_in_dim3A_232 = vector.broadcast %while3A_75 : bf16 to vector<512x512xbf16>
      %select_n3A_233 = arith.select %eq3A_230, %broadcast_in_dim3A_231, %broadcast_in_dim3A_232 : vector<512x512xi1>, vector<512x512xbf16>
      %get3A_234 = arith.constant 0 : index
      %get3A_235 = arith.constant 0 : index
      %get3A_236 = vector.load %arg17[%get3A_234, %get3A_235] : memref<192x512xbf16, #tpu.memory_space<vmem>>, vector<192x512xbf16>
      %dot_general3A_237 = arith.constant dense<0.000000e+00> : vector<192x512xf32>
      %dot_general3A_238 = tpu.matmul %get3A_236, %select_n3A_233, %dot_general3A_237 {dimension_numbers = #tpu.dot_dimension_numbers<[1], [0], [0], [1], [0, 0, 1, 1], [], []>, transpose_lhs_hint = false} : vector<192x512xbf16>, vector<512x512xbf16>, vector<192x512xf32> -> vector<192x512xf32>
      %convert_element_type3A_239 = arith.truncf %while3A_91 : vector<64x512xf32> to vector<64x512xbf16>
      %dot_general3A_240 = arith.constant dense<0.000000e+00> : vector<192x512xf32>
      %dot_general3A_241 = tpu.matmul %convert_element_type3A_15, %convert_element_type3A_239, %dot_general3A_240 {dimension_numbers = #tpu.dot_dimension_numbers<[1], [0], [0], [1], [0, 0, 1, 1], [], []>, transpose_lhs_hint = false} : vector<192x64xbf16>, vector<64x512xbf16>, vector<192x512xf32> -> vector<192x512xf32>
      %add3A_242 = arith.addf %dot_general3A_241, %broadcast_in_dim3A_24 : vector<192x512xf32>
      %slice3A_243 = vector.extract_strided_slice %dot_general3A_238 {offsets = [0, 0], sizes = [128, 512], strides = [1, 1]} : vector<192x512xf32> to vector<128x512xf32>
      %slice3A_244 = vector.extract_strided_slice %add3A_242 {offsets = [0, 0], sizes = [128, 512], strides = [1, 1]} : vector<192x512xf32> to vector<128x512xf32>
      %add3A_245 = arith.addf %slice3A_243, %slice3A_244 : vector<128x512xf32>
      %mul3A_246 = arith.constant 5.000000e-01 : f32
      %mul3A_247 = vector.broadcast %mul3A_246 : f32 to vector<128x512xf32>
      %mul3A_248 = arith.mulf %mul3A_247, %add3A_245 : vector<128x512xf32>
      %tanh3A_249 = math.tanh %mul3A_248 : vector<128x512xf32>
      %mul3A_250 = arith.constant 5.000000e-01 : f32
      %mul3A_251 = vector.broadcast %mul3A_250 : f32 to vector<128x512xf32>
      %mul3A_252 = arith.mulf %mul3A_251, %tanh3A_249 : vector<128x512xf32>
      %add3A_253 = arith.constant 5.000000e-01 : f32
      %add3A_254 = vector.broadcast %add3A_253 : f32 to vector<128x512xf32>
      %add3A_255 = arith.addf %mul3A_252, %add3A_254 : vector<128x512xf32>
      %slice3A_256 = vector.extract_strided_slice %add3A_255 {offsets = [64, 0], sizes = [64, 512], strides = [1, 1]} : vector<128x512xf32> to vector<64x512xf32>
      %slice3A_257 = vector.extract_strided_slice %dot_general3A_238 {offsets = [128, 0], sizes = [64, 512], strides = [1, 1]} : vector<192x512xf32> to vector<64x512xf32>
      %slice3A_258 = vector.extract_strided_slice %add3A_255 {offsets = [0, 0], sizes = [64, 512], strides = [1, 1]} : vector<128x512xf32> to vector<64x512xf32>
      %slice3A_259 = vector.extract_strided_slice %add3A_242 {offsets = [128, 0], sizes = [64, 512], strides = [1, 1]} : vector<192x512xf32> to vector<64x512xf32>
      %mul3A_260 = arith.mulf %slice3A_258, %slice3A_259 : vector<64x512xf32>
      %add3A_261 = arith.addf %slice3A_257, %mul3A_260 : vector<64x512xf32>
      %tanh3A_262 = math.tanh %add3A_261 : vector<64x512xf32>
      %sub3A_263 = arith.constant 1.000000e+00 : f32
      %sub3A_264 = vector.broadcast %sub3A_263 : f32 to vector<64x512xf32>
      %sub3A_265 = arith.subf %sub3A_264, %slice3A_256 : vector<64x512xf32>
      %mul3A_266 = arith.mulf %sub3A_265, %tanh3A_262 : vector<64x512xf32>
      %mul3A_267 = arith.mulf %slice3A_256, %while3A_91 : vector<64x512xf32>
      %add3A_268 = arith.addf %mul3A_266, %mul3A_267 : vector<64x512xf32>
      %gt3A = vector.broadcast %while3A_87 : i32 to vector<1x512xi32>
      %gt3A_269 = arith.cmpi sgt, %get3A_39, %gt3A : vector<1x512xi32>
      %gt3A_270 = vector.broadcast %while3A_87 : i32 to vector<1x512xi32>
      %gt3A_271 = arith.cmpi sgt, %get3A_42, %gt3A_270 : vector<1x512xi32>
      %gt3A_272 = vector.broadcast %while3A_87 : i32 to vector<1x512xi32>
      %gt3A_273 = arith.cmpi sgt, %get3A_45, %gt3A_272 : vector<1x512xi32>
      %gt3A_274 = vector.broadcast %while3A_87 : i32 to vector<1x512xi32>
      %gt3A_275 = arith.cmpi sgt, %get3A_48, %gt3A_274 : vector<1x512xi32>
      %jit3A = arith.constant 0.000000e+00 : f32
      %broadcast_in_dim3A_276 = vector.shape_cast %gt3A_269 : vector<1x512xi1> to vector<1x512xi1>
      %broadcast_in_dim3A_277 = vector.broadcast %broadcast_in_dim3A_276 : vector<1x512xi1> to vector<64x512xi1>
      %broadcast_in_dim3A_278 = vector.broadcast %jit3A : f32 to vector<64x512xf32>
      %select_n3A_279 = arith.select %broadcast_in_dim3A_277, %add3A_130, %broadcast_in_dim3A_278 : vector<64x512xi1>, vector<64x512xf32>
      %reshape3A = vector.shape_cast %select_n3A_279 : vector<64x512xf32> to vector<1x64x512xf32>
      %swap3A_280 = arith.index_cast %while3A_87 : i32 to index
      %swap3A_281 = arith.constant 0 : index
      %swap3A_282 = arith.constant 0 : index
      %swap3A_283 = vector.load %arg15[%swap3A_280, %swap3A_281, %swap3A_282] : memref<20x64x2048xf32, #tpu.memory_space<vmem>>, vector<1x64x512xf32>
      tpu.vector_store %arg15[%swap3A_280, %swap3A_281, %swap3A_282], %reshape3A {strides = array<i32>} : memref<20x64x2048xf32, #tpu.memory_space<vmem>>, vector<1x64x512xf32>,
      %jit3A_284 = arith.constant 0.000000e+00 : f32
      %broadcast_in_dim3A_285 = vector.shape_cast %gt3A_271 : vector<1x512xi1> to vector<1x512xi1>
      %broadcast_in_dim3A_286 = vector.broadcast %broadcast_in_dim3A_285 : vector<1x512xi1> to vector<64x512xi1>
      %broadcast_in_dim3A_287 = vector.broadcast %jit3A_284 : f32 to vector<64x512xf32>
      %select_n3A_288 = arith.select %broadcast_in_dim3A_286, %add3A_176, %broadcast_in_dim3A_287 : vector<64x512xi1>, vector<64x512xf32>
      %reshape3A_289 = vector.shape_cast %select_n3A_288 : vector<64x512xf32> to vector<1x64x512xf32>
      %swap3A_290 = arith.index_cast %while3A_87 : i32 to index
      %swap3A_291 = arith.constant 0 : index
      %swap3A_292 = arith.constant 512 : index
      %swap3A_293 = vector.load %arg15[%swap3A_290, %swap3A_291, %swap3A_292] : memref<20x64x2048xf32, #tpu.memory_space<vmem>>, vector<1x64x512xf32>
      tpu.vector_store %arg15[%swap3A_290, %swap3A_291, %swap3A_292], %reshape3A_289 {strides = array<i32>} : memref<20x64x2048xf32, #tpu.memory_space<vmem>>, vector<1x64x512xf32>,
      %jit3A_294 = arith.constant 0.000000e+00 : f32
      %broadcast_in_dim3A_295 = vector.shape_cast %gt3A_273 : vector<1x512xi1> to vector<1x512xi1>
      %broadcast_in_dim3A_296 = vector.broadcast %broadcast_in_dim3A_295 : vector<1x512xi1> to vector<64x512xi1>
      %broadcast_in_dim3A_297 = vector.broadcast %jit3A_294 : f32 to vector<64x512xf32>
      %select_n3A_298 = arith.select %broadcast_in_dim3A_296, %add3A_222, %broadcast_in_dim3A_297 : vector<64x512xi1>, vector<64x512xf32>
      %reshape3A_299 = vector.shape_cast %select_n3A_298 : vector<64x512xf32> to vector<1x64x512xf32>
      %swap3A_300 = arith.index_cast %while3A_87 : i32 to index
      %swap3A_301 = arith.constant 0 : index
      %swap3A_302 = arith.constant 1024 : index
      %swap3A_303 = vector.load %arg15[%swap3A_300, %swap3A_301, %swap3A_302] : memref<20x64x2048xf32, #tpu.memory_space<vmem>>, vector<1x64x512xf32>
      tpu.vector_store %arg15[%swap3A_300, %swap3A_301, %swap3A_302], %reshape3A_299 {strides = array<i32>} : memref<20x64x2048xf32, #tpu.memory_space<vmem>>, vector<1x64x512xf32>,
      %jit3A_304 = arith.constant 0.000000e+00 : f32
      %broadcast_in_dim3A_305 = vector.shape_cast %gt3A_275 : vector<1x512xi1> to vector<1x512xi1>
      %broadcast_in_dim3A_306 = vector.broadcast %broadcast_in_dim3A_305 : vector<1x512xi1> to vector<64x512xi1>
      %broadcast_in_dim3A_307 = vector.broadcast %jit3A_304 : f32 to vector<64x512xf32>
      %select_n3A_308 = arith.select %broadcast_in_dim3A_306, %add3A_268, %broadcast_in_dim3A_307 : vector<64x512xi1>, vector<64x512xf32>
      %reshape3A_309 = vector.shape_cast %select_n3A_308 : vector<64x512xf32> to vector<1x64x512xf32>
      %swap3A_310 = arith.index_cast %while3A_87 : i32 to index
      %swap3A_311 = arith.constant 0 : index
      %swap3A_312 = arith.constant 1536 : index
      %swap3A_313 = vector.load %arg15[%swap3A_310, %swap3A_311, %swap3A_312] : memref<20x64x2048xf32, #tpu.memory_space<vmem>>, vector<1x64x512xf32>
      tpu.vector_store %arg15[%swap3A_310, %swap3A_311, %swap3A_312], %reshape3A_309 {strides = array<i32>} : memref<20x64x2048xf32, #tpu.memory_space<vmem>>, vector<1x64x512xf32>,
      %broadcast_in_dim3A_314 = vector.shape_cast %gt3A_269 : vector<1x512xi1> to vector<1x512xi1>
      %broadcast_in_dim3A_315 = vector.broadcast %broadcast_in_dim3A_314 : vector<1x512xi1> to vector<64x512xi1>
      %select_n3A_316 = arith.select %broadcast_in_dim3A_315, %add3A_130, %while3A_88 : vector<64x512xi1>, vector<64x512xf32>
      %broadcast_in_dim3A_317 = vector.shape_cast %gt3A_271 : vector<1x512xi1> to vector<1x512xi1>
      %broadcast_in_dim3A_318 = vector.broadcast %broadcast_in_dim3A_317 : vector<1x512xi1> to vector<64x512xi1>
      %select_n3A_319 = arith.select %broadcast_in_dim3A_318, %add3A_176, %while3A_89 : vector<64x512xi1>, vector<64x512xf32>
      %broadcast_in_dim3A_320 = vector.shape_cast %gt3A_273 : vector<1x512xi1> to vector<1x512xi1>
      %broadcast_in_dim3A_321 = vector.broadcast %broadcast_in_dim3A_320 : vector<1x512xi1> to vector<64x512xi1>
      %select_n3A_322 = arith.select %broadcast_in_dim3A_321, %add3A_222, %while3A_90 : vector<64x512xi1>, vector<64x512xf32>
      %broadcast_in_dim3A_323 = vector.shape_cast %gt3A_275 : vector<1x512xi1> to vector<1x512xi1>
      %broadcast_in_dim3A_324 = vector.broadcast %broadcast_in_dim3A_323 : vector<1x512xi1> to vector<64x512xi1>
      %select_n3A_325 = arith.select %broadcast_in_dim3A_324, %add3A_268, %while3A_91 : vector<64x512xi1>, vector<64x512xf32>
      scf.yield %select_n3A_316, %select_n3A_319, %select_n3A_322, %select_n3A_325 : vector<64x512xf32>, vector<64x512xf32>, vector<64x512xf32>, vector<64x512xf32>
    }
    %while3A_85 = arith.constant 1 : i32
    %while3A_86:4 = scf.for %while3A_87 = %while3A_82 to %while3A_78 step %while3A_85 iter_args(%while3A_88 = %while3A_84#0, %while3A_89 = %while3A_84#1, %while3A_90 = %while3A_84#2, %while3A_91 = %while3A_84#3) -> (vector<64x512xf32>, vector<64x512xf32>, vector<64x512xf32>, vector<64x512xf32>)  : i32 {
      %get3A_92 = arith.index_cast %while3A_87 : i32 to index
      %get3A_93 = arith.constant 0 : index
      %get3A_94 = arith.constant 0 : index
      %get3A_95 = vector.load %arg4[%get3A_92, %get3A_93, %get3A_94] : memref<20x1x2048xi16, #tpu.memory_space<vmem>>, vector<1x1x512xi16>
      %get3A_96 = vector.shape_cast %get3A_95 : vector<1x1x512xi16> to vector<1x512xi16>
      %eq3A_97 = vector.broadcast %get3A_96 : vector<1x512xi16> to vector<512x512xi16>
      %eq3A_98 = vector.broadcast %convert_element_type3A_7 : vector<512x1xi16> to vector<512x512xi16>
      %eq3A_99 = arith.cmpi eq, %eq3A_97, %eq3A_98 : vector<512x512xi16>
      %broadcast_in_dim3A_100 = vector.broadcast %while3A_74 : bf16 to vector<512x512xbf16>
      %broadcast_in_dim3A_101 = vector.broadcast %while3A_75 : bf16 to vector<512x512xbf16>
      %select_n3A = arith.select %eq3A_99, %broadcast_in_dim3A_100, %broadcast_in_dim3A_101 : vector<512x512xi1>, vector<512x512xbf16>
      %get3A_102 = arith.constant 0 : index
      %get3A_103 = arith.constant 0 : index
      %get3A_104 = vector.load %arg17[%get3A_102, %get3A_103] : memref<192x512xbf16, #tpu.memory_space<vmem>>, vector<192x512xbf16>
      %dot_general3A = arith.constant dense<0.000000e+00> : vector<192x512xf32>
      %dot_general3A_105 = tpu.matmul %get3A_104, %select_n3A, %dot_general3A {dimension_numbers = #tpu.dot_dimension_numbers<[1], [0], [0], [1], [0, 0, 1, 1], [], []>, transpose_lhs_hint = false} : vector<192x512xbf16>, vector<512x512xbf16>, vector<192x512xf32> -> vector<192x512xf32>
      %convert_element_type3A_106 = arith.truncf %while3A_88 : vector<64x512xf32> to vector<64x512xbf16>
      %dot_general3A_107 = arith.constant dense<0.000000e+00> : vector<192x512xf32>
      %dot_general3A_108 = tpu.matmul %convert_element_type3A_15, %convert_element_type3A_106, %dot_general3A_107 {dimension_numbers = #tpu.dot_dimension_numbers<[1], [0], [0], [1], [0, 0, 1, 1], [], []>, transpose_lhs_hint = false} : vector<192x64xbf16>, vector<64x512xbf16>, vector<192x512xf32> -> vector<192x512xf32>
      %add3A = arith.addf %dot_general3A_108, %broadcast_in_dim3A_24 : vector<192x512xf32>
      %slice3A = vector.extract_strided_slice %dot_general3A_105 {offsets = [0, 0], sizes = [128, 512], strides = [1, 1]} : vector<192x512xf32> to vector<128x512xf32>
      %slice3A_109 = vector.extract_strided_slice %add3A {offsets = [0, 0], sizes = [128, 512], strides = [1, 1]} : vector<192x512xf32> to vector<128x512xf32>
      %add3A_110 = arith.addf %slice3A, %slice3A_109 : vector<128x512xf32>
      %mul3A = arith.constant 5.000000e-01 : f32
      %mul3A_111 = vector.broadcast %mul3A : f32 to vector<128x512xf32>
      %mul3A_112 = arith.mulf %mul3A_111, %add3A_110 : vector<128x512xf32>
      %tanh3A = math.tanh %mul3A_112 : vector<128x512xf32>
      %mul3A_113 = arith.constant 5.000000e-01 : f32
      %mul3A_114 = vector.broadcast %mul3A_113 : f32 to vector<128x512xf32>
      %mul3A_115 = arith.mulf %mul3A_114, %tanh3A : vector<128x512xf32>
      %add3A_116 = arith.constant 5.000000e-01 : f32
      %add3A_117 = vector.broadcast %add3A_116 : f32 to vector<128x512xf32>
      %add3A_118 = arith.addf %mul3A_115, %add3A_117 : vector<128x512xf32>
      %slice3A_119 = vector.extract_strided_slice %add3A_118 {offsets = [64, 0], sizes = [64, 512], strides = [1, 1]} : vector<128x512xf32> to vector<64x512xf32>
      %slice3A_120 = vector.extract_strided_slice %dot_general3A_105 {offsets = [128, 0], sizes = [64, 512], strides = [1, 1]} : vector<192x512xf32> to vector<64x512xf32>
      %slice3A_121 = vector.extract_strided_slice %add3A_118 {offsets = [0, 0], sizes = [64, 512], strides = [1, 1]} : vector<128x512xf32> to vector<64x512xf32>
      %slice3A_122 = vector.extract_strided_slice %add3A {offsets = [128, 0], sizes = [64, 512], strides = [1, 1]} : vector<192x512xf32> to vector<64x512xf32>
      %mul3A_123 = arith.mulf %slice3A_121, %slice3A_122 : vector<64x512xf32>
      %add3A_124 = arith.addf %slice3A_120, %mul3A_123 : vector<64x512xf32>
      %tanh3A_125 = math.tanh %add3A_124 : vector<64x512xf32>
      %sub3A = arith.constant 1.000000e+00 : f32
      %sub3A_126 = vector.broadcast %sub3A : f32 to vector<64x512xf32>
      %sub3A_127 = arith.subf %sub3A_126, %slice3A_119 : vector<64x512xf32>
      %mul3A_128 = arith.mulf %sub3A_127, %tanh3A_125 : vector<64x512xf32>
      %mul3A_129 = arith.mulf %slice3A_119, %while3A_88 : vector<64x512xf32>
      %add3A_130 = arith.addf %mul3A_128, %mul3A_129 : vector<64x512xf32>
      %get3A_131 = arith.index_cast %while3A_87 : i32 to index
      %get3A_132 = arith.constant 0 : index
      %get3A_133 = arith.constant 512 : index
      %get3A_134 = vector.load %arg4[%get3A_131, %get3A_132, %get3A_133] : memref<20x1x2048xi16, #tpu.memory_space<vmem>>, vector<1x1x512xi16>
      %get3A_135 = vector.shape_cast %get3A_134 : vector<1x1x512xi16> to vector<1x512xi16>
      %eq3A_136 = vector.broadcast %get3A_135 : vector<1x512xi16> to vector<512x512xi16>
      %eq3A_137 = vector.broadcast %convert_element_type3A_7 : vector<512x1xi16> to vector<512x512xi16>
      %eq3A_138 = arith.cmpi eq, %eq3A_136, %eq3A_137 : vector<512x512xi16>
      %broadcast_in_dim3A_139 = vector.broadcast %while3A_74 : bf16 to vector<512x512xbf16>
      %broadcast_in_dim3A_140 = vector.broadcast %while3A_75 : bf16 to vector<512x512xbf16>
      %select_n3A_141 = arith.select %eq3A_138, %broadcast_in_dim3A_139, %broadcast_in_dim3A_140 : vector<512x512xi1>, vector<512x512xbf16>
      %get3A_142 = arith.constant 0 : index
      %get3A_143 = arith.constant 0 : index
      %get3A_144 = vector.load %arg17[%get3A_142, %get3A_143] : memref<192x512xbf16, #tpu.memory_space<vmem>>, vector<192x512xbf16>
      %dot_general3A_145 = arith.constant dense<0.000000e+00> : vector<192x512xf32>
      %dot_general3A_146 = tpu.matmul %get3A_144, %select_n3A_141, %dot_general3A_145 {dimension_numbers = #tpu.dot_dimension_numbers<[1], [0], [0], [1], [0, 0, 1, 1], [], []>, transpose_lhs_hint = false} : vector<192x512xbf16>, vector<512x512xbf16>, vector<192x512xf32> -> vector<192x512xf32>
      %convert_element_type3A_147 = arith.truncf %while3A_89 : vector<64x512xf32> to vector<64x512xbf16>
      %dot_general3A_148 = arith.constant dense<0.000000e+00> : vector<192x512xf32>
      %dot_general3A_149 = tpu.matmul %convert_element_type3A_15, %convert_element_type3A_147, %dot_general3A_148 {dimension_numbers = #tpu.dot_dimension_numbers<[1], [0], [0], [1], [0, 0, 1, 1], [], []>, transpose_lhs_hint = false} : vector<192x64xbf16>, vector<64x512xbf16>, vector<192x512xf32> -> vector<192x512xf32>
      %add3A_150 = arith.addf %dot_general3A_149, %broadcast_in_dim3A_24 : vector<192x512xf32>
      %slice3A_151 = vector.extract_strided_slice %dot_general3A_146 {offsets = [0, 0], sizes = [128, 512], strides = [1, 1]} : vector<192x512xf32> to vector<128x512xf32>
      %slice3A_152 = vector.extract_strided_slice %add3A_150 {offsets = [0, 0], sizes = [128, 512], strides = [1, 1]} : vector<192x512xf32> to vector<128x512xf32>
      %add3A_153 = arith.addf %slice3A_151, %slice3A_152 : vector<128x512xf32>
      %mul3A_154 = arith.constant 5.000000e-01 : f32
      %mul3A_155 = vector.broadcast %mul3A_154 : f32 to vector<128x512xf32>
      %mul3A_156 = arith.mulf %mul3A_155, %add3A_153 : vector<128x512xf32>
      %tanh3A_157 = math.tanh %mul3A_156 : vector<128x512xf32>
      %mul3A_158 = arith.constant 5.000000e-01 : f32
      %mul3A_159 = vector.broadcast %mul3A_158 : f32 to vector<128x512xf32>
      %mul3A_160 = arith.mulf %mul3A_159, %tanh3A_157 : vector<128x512xf32>
      %add3A_161 = arith.constant 5.000000e-01 : f32
      %add3A_162 = vector.broadcast %add3A_161 : f32 to vector<128x512xf32>
      %add3A_163 = arith.addf %mul3A_160, %add3A_162 : vector<128x512xf32>
      %slice3A_164 = vector.extract_strided_slice %add3A_163 {offsets = [64, 0], sizes = [64, 512], strides = [1, 1]} : vector<128x512xf32> to vector<64x512xf32>
      %slice3A_165 = vector.extract_strided_slice %dot_general3A_146 {offsets = [128, 0], sizes = [64, 512], strides = [1, 1]} : vector<192x512xf32> to vector<64x512xf32>
      %slice3A_166 = vector.extract_strided_slice %add3A_163 {offsets = [0, 0], sizes = [64, 512], strides = [1, 1]} : vector<128x512xf32> to vector<64x512xf32>
      %slice3A_167 = vector.extract_strided_slice %add3A_150 {offsets = [128, 0], sizes = [64, 512], strides = [1, 1]} : vector<192x512xf32> to vector<64x512xf32>
      %mul3A_168 = arith.mulf %slice3A_166, %slice3A_167 : vector<64x512xf32>
      %add3A_169 = arith.addf %slice3A_165, %mul3A_168 : vector<64x512xf32>
      %tanh3A_170 = math.tanh %add3A_169 : vector<64x512xf32>
      %sub3A_171 = arith.constant 1.000000e+00 : f32
      %sub3A_172 = vector.broadcast %sub3A_171 : f32 to vector<64x512xf32>
      %sub3A_173 = arith.subf %sub3A_172, %slice3A_164 : vector<64x512xf32>
      %mul3A_174 = arith.mulf %sub3A_173, %tanh3A_170 : vector<64x512xf32>
      %mul3A_175 = arith.mulf %slice3A_164, %while3A_89 : vector<64x512xf32>
      %add3A_176 = arith.addf %mul3A_174, %mul3A_175 : vector<64x512xf32>
      %get3A_177 = arith.index_cast %while3A_87 : i32 to index
      %get3A_178 = arith.constant 0 : index
      %get3A_179 = arith.constant 1024 : index
      %get3A_180 = vector.load %arg4[%get3A_177, %get3A_178, %get3A_179] : memref<20x1x2048xi16, #tpu.memory_space<vmem>>, vector<1x1x512xi16>
      %get3A_181 = vector.shape_cast %get3A_180 : vector<1x1x512xi16> to vector<1x512xi16>
      %eq3A_182 = vector.broadcast %get3A_181 : vector<1x512xi16> to vector<512x512xi16>
      %eq3A_183 = vector.broadcast %convert_element_type3A_7 : vector<512x1xi16> to vector<512x512xi16>
      %eq3A_184 = arith.cmpi eq, %eq3A_182, %eq3A_183 : vector<512x512xi16>
      %broadcast_in_dim3A_185 = vector.broadcast %while3A_74 : bf16 to vector<512x512xbf16>
      %broadcast_in_dim3A_186 = vector.broadcast %while3A_75 : bf16 to vector<512x512xbf16>
      %select_n3A_187 = arith.select %eq3A_184, %broadcast_in_dim3A_185, %broadcast_in_dim3A_186 : vector<512x512xi1>, vector<512x512xbf16>
      %get3A_188 = arith.constant 0 : index
      %get3A_189 = arith.constant 0 : index
      %get3A_190 = vector.load %arg17[%get3A_188, %get3A_189] : memref<192x512xbf16, #tpu.memory_space<vmem>>, vector<192x512xbf16>
      %dot_general3A_191 = arith.constant dense<0.000000e+00> : vector<192x512xf32>
      %dot_general3A_192 = tpu.matmul %get3A_190, %select_n3A_187, %dot_general3A_191 {dimension_numbers = #tpu.dot_dimension_numbers<[1], [0], [0], [1], [0, 0, 1, 1], [], []>, transpose_lhs_hint = false} : vector<192x512xbf16>, vector<512x512xbf16>, vector<192x512xf32> -> vector<192x512xf32>
      %convert_element_type3A_193 = arith.truncf %while3A_90 : vector<64x512xf32> to vector<64x512xbf16>
      %dot_general3A_194 = arith.constant dense<0.000000e+00> : vector<192x512xf32>
      %dot_general3A_195 = tpu.matmul %convert_element_type3A_15, %convert_element_type3A_193, %dot_general3A_194 {dimension_numbers = #tpu.dot_dimension_numbers<[1], [0], [0], [1], [0, 0, 1, 1], [], []>, transpose_lhs_hint = false} : vector<192x64xbf16>, vector<64x512xbf16>, vector<192x512xf32> -> vector<192x512xf32>
      %add3A_196 = arith.addf %dot_general3A_195, %broadcast_in_dim3A_24 : vector<192x512xf32>
      %slice3A_197 = vector.extract_strided_slice %dot_general3A_192 {offsets = [0, 0], sizes = [128, 512], strides = [1, 1]} : vector<192x512xf32> to vector<128x512xf32>
      %slice3A_198 = vector.extract_strided_slice %add3A_196 {offsets = [0, 0], sizes = [128, 512], strides = [1, 1]} : vector<192x512xf32> to vector<128x512xf32>
      %add3A_199 = arith.addf %slice3A_197, %slice3A_198 : vector<128x512xf32>
      %mul3A_200 = arith.constant 5.000000e-01 : f32
      %mul3A_201 = vector.broadcast %mul3A_200 : f32 to vector<128x512xf32>
      %mul3A_202 = arith.mulf %mul3A_201, %add3A_199 : vector<128x512xf32>
      %tanh3A_203 = math.tanh %mul3A_202 : vector<128x512xf32>
      %mul3A_204 = arith.constant 5.000000e-01 : f32
      %mul3A_205 = vector.broadcast %mul3A_204 : f32 to vector<128x512xf32>
      %mul3A_206 = arith.mulf %mul3A_205, %tanh3A_203 : vector<128x512xf32>
      %add3A_207 = arith.constant 5.000000e-01 : f32
      %add3A_208 = vector.broadcast %add3A_207 : f32 to vector<128x512xf32>
      %add3A_209 = arith.addf %mul3A_206, %add3A_208 : vector<128x512xf32>
      %slice3A_210 = vector.extract_strided_slice %add3A_209 {offsets = [64, 0], sizes = [64, 512], strides = [1, 1]} : vector<128x512xf32> to vector<64x512xf32>
      %slice3A_211 = vector.extract_strided_slice %dot_general3A_192 {offsets = [128, 0], sizes = [64, 512], strides = [1, 1]} : vector<192x512xf32> to vector<64x512xf32>
      %slice3A_212 = vector.extract_strided_slice %add3A_209 {offsets = [0, 0], sizes = [64, 512], strides = [1, 1]} : vector<128x512xf32> to vector<64x512xf32>
      %slice3A_213 = vector.extract_strided_slice %add3A_196 {offsets = [128, 0], sizes = [64, 512], strides = [1, 1]} : vector<192x512xf32> to vector<64x512xf32>
      %mul3A_214 = arith.mulf %slice3A_212, %slice3A_213 : vector<64x512xf32>
      %add3A_215 = arith.addf %slice3A_211, %mul3A_214 : vector<64x512xf32>
      %tanh3A_216 = math.tanh %add3A_215 : vector<64x512xf32>
      %sub3A_217 = arith.constant 1.000000e+00 : f32
      %sub3A_218 = vector.broadcast %sub3A_217 : f32 to vector<64x512xf32>
      %sub3A_219 = arith.subf %sub3A_218, %slice3A_210 : vector<64x512xf32>
      %mul3A_220 = arith.mulf %sub3A_219, %tanh3A_216 : vector<64x512xf32>
      %mul3A_221 = arith.mulf %slice3A_210, %while3A_90 : vector<64x512xf32>
      %add3A_222 = arith.addf %mul3A_220, %mul3A_221 : vector<64x512xf32>
      %get3A_223 = arith.index_cast %while3A_87 : i32 to index
      %get3A_224 = arith.constant 0 : index
      %get3A_225 = arith.constant 1536 : index
      %get3A_226 = vector.load %arg4[%get3A_223, %get3A_224, %get3A_225] : memref<20x1x2048xi16, #tpu.memory_space<vmem>>, vector<1x1x512xi16>
      %get3A_227 = vector.shape_cast %get3A_226 : vector<1x1x512xi16> to vector<1x512xi16>
      %eq3A_228 = vector.broadcast %get3A_227 : vector<1x512xi16> to vector<512x512xi16>
      %eq3A_229 = vector.broadcast %convert_element_type3A_7 : vector<512x1xi16> to vector<512x512xi16>
      %eq3A_230 = arith.cmpi eq, %eq3A_228, %eq3A_229 : vector<512x512xi16>
      %broadcast_in_dim3A_231 = vector.broadcast %while3A_74 : bf16 to vector<512x512xbf16>
      %broadcast_in_dim3A_232 = vector.broadcast %while3A_75 : bf16 to vector<512x512xbf16>
      %select_n3A_233 = arith.select %eq3A_230, %broadcast_in_dim3A_231, %broadcast_in_dim3A_232 : vector<512x512xi1>, vector<512x512xbf16>
      %get3A_234 = arith.constant 0 : index
      %get3A_235 = arith.constant 0 : index
      %get3A_236 = vector.load %arg17[%get3A_234, %get3A_235] : memref<192x512xbf16, #tpu.memory_space<vmem>>, vector<192x512xbf16>
      %dot_general3A_237 = arith.constant dense<0.000000e+00> : vector<192x512xf32>
      %dot_general3A_238 = tpu.matmul %get3A_236, %select_n3A_233, %dot_general3A_237 {dimension_numbers = #tpu.dot_dimension_numbers<[1], [0], [0], [1], [0, 0, 1, 1], [], []>, transpose_lhs_hint = false} : vector<192x512xbf16>, vector<512x512xbf16>, vector<192x512xf32> -> vector<192x512xf32>
      %convert_element_type3A_239 = arith.truncf %while3A_91 : vector<64x512xf32> to vector<64x512xbf16>
      %dot_general3A_240 = arith.constant dense<0.000000e+00> : vector<192x512xf32>
      %dot_general3A_241 = tpu.matmul %convert_element_type3A_15, %convert_element_type3A_239, %dot_general3A_240 {dimension_numbers = #tpu.dot_dimension_numbers<[1], [0], [0], [1], [0, 0, 1, 1], [], []>, transpose_lhs_hint = false} : vector<192x64xbf16>, vector<64x512xbf16>, vector<192x512xf32> -> vector<192x512xf32>
      %add3A_242 = arith.addf %dot_general3A_241, %broadcast_in_dim3A_24 : vector<192x512xf32>
      %slice3A_243 = vector.extract_strided_slice %dot_general3A_238 {offsets = [0, 0], sizes = [128, 512], strides = [1, 1]} : vector<192x512xf32> to vector<128x512xf32>
      %slice3A_244 = vector.extract_strided_slice %add3A_242 {offsets = [0, 0], sizes = [128, 512], strides = [1, 1]} : vector<192x512xf32> to vector<128x512xf32>
      %add3A_245 = arith.addf %slice3A_243, %slice3A_244 : vector<128x512xf32>
      %mul3A_246 = arith.constant 5.000000e-01 : f32
      %mul3A_247 = vector.broadcast %mul3A_246 : f32 to vector<128x512xf32>
      %mul3A_248 = arith.mulf %mul3A_247, %add3A_245 : vector<128x512xf32>
      %tanh3A_249 = math.tanh %mul3A_248 : vector<128x512xf32>
      %mul3A_250 = arith.constant 5.000000e-01 : f32
      %mul3A_251 = vector.broadcast %mul3A_250 : f32 to vector<128x512xf32>
      %mul3A_252 = arith.mulf %mul3A_251, %tanh3A_249 : vector<128x512xf32>
      %add3A_253 = arith.constant 5.000000e-01 : f32
      %add3A_254 = vector.broadcast %add3A_253 : f32 to vector<128x512xf32>
      %add3A_255 = arith.addf %mul3A_252, %add3A_254 : vector<128x512xf32>
      %slice3A_256 = vector.extract_strided_slice %add3A_255 {offsets = [64, 0], sizes = [64, 512], strides = [1, 1]} : vector<128x512xf32> to vector<64x512xf32>
      %slice3A_257 = vector.extract_strided_slice %dot_general3A_238 {offsets = [128, 0], sizes = [64, 512], strides = [1, 1]} : vector<192x512xf32> to vector<64x512xf32>
      %slice3A_258 = vector.extract_strided_slice %add3A_255 {offsets = [0, 0], sizes = [64, 512], strides = [1, 1]} : vector<128x512xf32> to vector<64x512xf32>
      %slice3A_259 = vector.extract_strided_slice %add3A_242 {offsets = [128, 0], sizes = [64, 512], strides = [1, 1]} : vector<192x512xf32> to vector<64x512xf32>
      %mul3A_260 = arith.mulf %slice3A_258, %slice3A_259 : vector<64x512xf32>
      %add3A_261 = arith.addf %slice3A_257, %mul3A_260 : vector<64x512xf32>
      %tanh3A_262 = math.tanh %add3A_261 : vector<64x512xf32>
      %sub3A_263 = arith.constant 1.000000e+00 : f32
      %sub3A_264 = vector.broadcast %sub3A_263 : f32 to vector<64x512xf32>
      %sub3A_265 = arith.subf %sub3A_264, %slice3A_256 : vector<64x512xf32>
      %mul3A_266 = arith.mulf %sub3A_265, %tanh3A_262 : vector<64x512xf32>
      %mul3A_267 = arith.mulf %slice3A_256, %while3A_91 : vector<64x512xf32>
      %add3A_268 = arith.addf %mul3A_266, %mul3A_267 : vector<64x512xf32>
      %gt3A = vector.broadcast %while3A_87 : i32 to vector<1x512xi32>
      %gt3A_269 = arith.cmpi sgt, %get3A_39, %gt3A : vector<1x512xi32>
      %gt3A_270 = vector.broadcast %while3A_87 : i32 to vector<1x512xi32>
      %gt3A_271 = arith.cmpi sgt, %get3A_42, %gt3A_270 : vector<1x512xi32>
      %gt3A_272 = vector.broadcast %while3A_87 : i32 to vector<1x512xi32>
      %gt3A_273 = arith.cmpi sgt, %get3A_45, %gt3A_272 : vector<1x512xi32>
      %gt3A_274 = vector.broadcast %while3A_87 : i32 to vector<1x512xi32>
      %gt3A_275 = arith.cmpi sgt, %get3A_48, %gt3A_274 : vector<1x512xi32>
      %jit3A = arith.constant 0.000000e+00 : f32
      %broadcast_in_dim3A_276 = vector.shape_cast %gt3A_269 : vector<1x512xi1> to vector<1x512xi1>
      %broadcast_in_dim3A_277 = vector.broadcast %broadcast_in_dim3A_276 : vector<1x512xi1> to vector<64x512xi1>
      %broadcast_in_dim3A_278 = vector.broadcast %jit3A : f32 to vector<64x512xf32>
      %select_n3A_279 = arith.select %broadcast_in_dim3A_277, %add3A_130, %broadcast_in_dim3A_278 : vector<64x512xi1>, vector<64x512xf32>
      %reshape3A = vector.shape_cast %select_n3A_279 : vector<64x512xf32> to vector<1x64x512xf32>
      %swap3A_280 = arith.index_cast %while3A_87 : i32 to index
      %swap3A_281 = arith.constant 0 : index
      %swap3A_282 = arith.constant 0 : index
      %swap3A_283 = vector.load %arg15[%swap3A_280, %swap3A_281, %swap3A_282] : memref<20x64x2048xf32, #tpu.memory_space<vmem>>, vector<1x64x512xf32>
      tpu.vector_store %arg15[%swap3A_280, %swap3A_281, %swap3A_282], %reshape3A {strides = array<i32>} : memref<20x64x2048xf32, #tpu.memory_space<vmem>>, vector<1x64x512xf32>,
      %jit3A_284 = arith.constant 0.000000e+00 : f32
      %broadcast_in_dim3A_285 = vector.shape_cast %gt3A_271 : vector<1x512xi1> to vector<1x512xi1>
      %broadcast_in_dim3A_286 = vector.broadcast %broadcast_in_dim3A_285 : vector<1x512xi1> to vector<64x512xi1>
      %broadcast_in_dim3A_287 = vector.broadcast %jit3A_284 : f32 to vector<64x512xf32>
      %select_n3A_288 = arith.select %broadcast_in_dim3A_286, %add3A_176, %broadcast_in_dim3A_287 : vector<64x512xi1>, vector<64x512xf32>
      %reshape3A_289 = vector.shape_cast %select_n3A_288 : vector<64x512xf32> to vector<1x64x512xf32>
      %swap3A_290 = arith.index_cast %while3A_87 : i32 to index
      %swap3A_291 = arith.constant 0 : index
      %swap3A_292 = arith.constant 512 : index
      %swap3A_293 = vector.load %arg15[%swap3A_290, %swap3A_291, %swap3A_292] : memref<20x64x2048xf32, #tpu.memory_space<vmem>>, vector<1x64x512xf32>
      tpu.vector_store %arg15[%swap3A_290, %swap3A_291, %swap3A_292], %reshape3A_289 {strides = array<i32>} : memref<20x64x2048xf32, #tpu.memory_space<vmem>>, vector<1x64x512xf32>,
      %jit3A_294 = arith.constant 0.000000e+00 : f32
      %broadcast_in_dim3A_295 = vector.shape_cast %gt3A_273 : vector<1x512xi1> to vector<1x512xi1>
      %broadcast_in_dim3A_296 = vector.broadcast %broadcast_in_dim3A_295 : vector<1x512xi1> to vector<64x512xi1>
      %broadcast_in_dim3A_297 = vector.broadcast %jit3A_294 : f32 to vector<64x512xf32>
      %select_n3A_298 = arith.select %broadcast_in_dim3A_296, %add3A_222, %broadcast_in_dim3A_297 : vector<64x512xi1>, vector<64x512xf32>
      %reshape3A_299 = vector.shape_cast %select_n3A_298 : vector<64x512xf32> to vector<1x64x512xf32>
      %swap3A_300 = arith.index_cast %while3A_87 : i32 to index
      %swap3A_301 = arith.constant 0 : index
      %swap3A_302 = arith.constant 1024 : index
      %swap3A_303 = vector.load %arg15[%swap3A_300, %swap3A_301, %swap3A_302] : memref<20x64x2048xf32, #tpu.memory_space<vmem>>, vector<1x64x512xf32>
      tpu.vector_store %arg15[%swap3A_300, %swap3A_301, %swap3A_302], %reshape3A_299 {strides = array<i32>} : memref<20x64x2048xf32, #tpu.memory_space<vmem>>, vector<1x64x512xf32>,
      %jit3A_304 = arith.constant 0.000000e+00 : f32
      %broadcast_in_dim3A_305 = vector.shape_cast %gt3A_275 : vector<1x512xi1> to vector<1x512xi1>
      %broadcast_in_dim3A_306 = vector.broadcast %broadcast_in_dim3A_305 : vector<1x512xi1> to vector<64x512xi1>
      %broadcast_in_dim3A_307 = vector.broadcast %jit3A_304 : f32 to vector<64x512xf32>
      %select_n3A_308 = arith.select %broadcast_in_dim3A_306, %add3A_268, %broadcast_in_dim3A_307 : vector<64x512xi1>, vector<64x512xf32>
      %reshape3A_309 = vector.shape_cast %select_n3A_308 : vector<64x512xf32> to vector<1x64x512xf32>
      %swap3A_310 = arith.index_cast %while3A_87 : i32 to index
      %swap3A_311 = arith.constant 0 : index
      %swap3A_312 = arith.constant 1536 : index
      %swap3A_313 = vector.load %arg15[%swap3A_310, %swap3A_311, %swap3A_312] : memref<20x64x2048xf32, #tpu.memory_space<vmem>>, vector<1x64x512xf32>
      tpu.vector_store %arg15[%swap3A_310, %swap3A_311, %swap3A_312], %reshape3A_309 {strides = array<i32>} : memref<20x64x2048xf32, #tpu.memory_space<vmem>>, vector<1x64x512xf32>,
      %broadcast_in_dim3A_314 = vector.shape_cast %gt3A_269 : vector<1x512xi1> to vector<1x512xi1>
      %broadcast_in_dim3A_315 = vector.broadcast %broadcast_in_dim3A_314 : vector<1x512xi1> to vector<64x512xi1>
      %select_n3A_316 = arith.select %broadcast_in_dim3A_315, %add3A_130, %while3A_88 : vector<64x512xi1>, vector<64x512xf32>
      %broadcast_in_dim3A_317 = vector.shape_cast %gt3A_271 : vector<1x512xi1> to vector<1x512xi1>
      %broadcast_in_dim3A_318 = vector.broadcast %broadcast_in_dim3A_317 : vector<1x512xi1> to vector<64x512xi1>
      %select_n3A_319 = arith.select %broadcast_in_dim3A_318, %add3A_176, %while3A_89 : vector<64x512xi1>, vector<64x512xf32>
      %broadcast_in_dim3A_320 = vector.shape_cast %gt3A_273 : vector<1x512xi1> to vector<1x512xi1>
      %broadcast_in_dim3A_321 = vector.broadcast %broadcast_in_dim3A_320 : vector<1x512xi1> to vector<64x512xi1>
      %select_n3A_322 = arith.select %broadcast_in_dim3A_321, %add3A_222, %while3A_90 : vector<64x512xi1>, vector<64x512xf32>
      %broadcast_in_dim3A_323 = vector.shape_cast %gt3A_275 : vector<1x512xi1> to vector<1x512xi1>
      %broadcast_in_dim3A_324 = vector.broadcast %broadcast_in_dim3A_323 : vector<1x512xi1> to vector<64x512xi1>
      %select_n3A_325 = arith.select %broadcast_in_dim3A_324, %add3A_268, %while3A_91 : vector<64x512xi1>, vector<64x512xf32>
      scf.yield %select_n3A_316, %select_n3A_319, %select_n3A_322, %select_n3A_325 : vector<64x512xf32>, vector<64x512xf32>, vector<64x512xf32>, vector<64x512xf32>
    }
    return
  }
  func.func @transform_0(%arg0: i32, %arg1: memref<8x2xi32, #tpu.memory_space<smem>>) -> (i32, i32, i32) {
    %c0_i32 = arith.constant 0 : i32
    %c0_i32_0 = arith.constant 0 : i32
    %c0_i32_1 = arith.constant 0 : i32
    return %c0_i32, %c0_i32_0, %arg0 : i32, i32, i32
  }
  func.func @transform_1(%arg0: i32, %arg1: memref<8x2xi32, #tpu.memory_space<smem>>) -> (i32, i32) {
    %c0_i32 = arith.constant 0 : i32
    %c0_i32_0 = arith.constant 0 : i32
    return %c0_i32, %arg0 : i32, i32
  }
  func.func @transform_2(%arg0: i32, %arg1: memref<8x2xi32, #tpu.memory_space<smem>>) -> (i32, i32, i32) {
    %c0_i32 = arith.constant 0 : i32
    %c0_i32_0 = arith.constant 0 : i32
    %c0_i32_1 = arith.constant 0 : i32
    return %c0_i32, %c0_i32_0, %arg0 : i32, i32, i32
  }
  func.func @transform_3(%arg0: i32, %arg1: memref<8x2xi32, #tpu.memory_space<smem>>) -> (i32, i32) {
    %c0_i32 = arith.constant 0 : i32
    %c0_i32_0 = arith.constant 0 : i32
    return %c0_i32, %arg0 : i32, i32
  }
  func.func @transform_4(%arg0: i32, %arg1: memref<8x2xi32, #tpu.memory_space<smem>>) -> (i32, i32) {
    %c0_i32 = arith.constant 0 : i32
    %c0_i32_0 = arith.constant 0 : i32
    %c0_i32_1 = arith.constant 0 : i32
    return %c0_i32, %c0_i32_0 : i32, i32
  }
  func.func @transform_5(%arg0: i32, %arg1: memref<8x2xi32, #tpu.memory_space<smem>>) -> (i32, i32) {
    %c0_i32 = arith.constant 0 : i32
    %c0_i32_0 = arith.constant 0 : i32
    %c0_i32_1 = arith.constant 0 : i32
    return %c0_i32, %c0_i32_0 : i32, i32
  }
  func.func @transform_6(%arg0: i32, %arg1: memref<8x2xi32, #tpu.memory_space<smem>>) -> (i32, i32) {
    %c0_i32 = arith.constant 0 : i32
    %c0_i32_0 = arith.constant 0 : i32
    %c0_i32_1 = arith.constant 0 : i32
    return %c0_i32, %c0_i32_0 : i32, i32
  }
  func.func @transform_7(%arg0: i32, %arg1: memref<8x2xi32, #tpu.memory_space<smem>>) -> (i32, i32) {
    %c0_i32 = arith.constant 0 : i32
    %c0_i32_0 = arith.constant 0 : i32
    %c0_i32_1 = arith.constant 0 : i32
    return %c0_i32, %c0_i32_0 : i32, i32
  }
  func.func @transform_8(%arg0: i32, %arg1: memref<8x2xi32, #tpu.memory_space<smem>>) -> (i32, i32) {
    %c0_i32 = arith.constant 0 : i32
    %c0_i32_0 = arith.constant 0 : i32
    %c0_i32_1 = arith.constant 0 : i32
    return %c0_i32, %c0_i32_0 : i32, i32
  }
  func.func @transform_9(%arg0: i32, %arg1: memref<8x2xi32, #tpu.memory_space<smem>>) -> (i32, i32) {
    %c0_i32 = arith.constant 0 : i32
    %c0_i32_0 = arith.constant 0 : i32
    %c0_i32_1 = arith.constant 0 : i32
    return %c0_i32, %c0_i32_0 : i32, i32
  }
  func.func @transform_10(%arg0: i32, %arg1: memref<8x2xi32, #tpu.memory_space<smem>>) -> (i32, i32) {
    %c0_i32 = arith.constant 0 : i32
    %c0_i32_0 = arith.constant 0 : i32
    %c0_i32_1 = arith.constant 0 : i32
    return %c0_i32, %c0_i32_0 : i32, i32
  }
  func.func @transform_11(%arg0: i32, %arg1: memref<8x2xi32, #tpu.memory_space<smem>>) -> (i32, i32) {
    %c0_i32 = arith.constant 0 : i32
    %c0_i32_0 = arith.constant 0 : i32
    %c0_i32_1 = arith.constant 0 : i32
    return %c0_i32, %c0_i32_0 : i32, i32
  }
  func.func @transform_12(%arg0: i32, %arg1: memref<8x2xi32, #tpu.memory_space<smem>>) -> (i32, i32) {
    %c0_i32 = arith.constant 0 : i32
    %c0_i32_0 = arith.constant 0 : i32
    %c0_i32_1 = arith.constant 0 : i32
    return %c0_i32, %c0_i32_0 : i32, i32
  }
  func.func @transform_13(%arg0: i32, %arg1: memref<8x2xi32, #tpu.memory_space<smem>>) -> (i32, i32, i32) {
    %c0_i32 = arith.constant 0 : i32
    %c0_i32_0 = arith.constant 0 : i32
    %c0_i32_1 = arith.constant 0 : i32
    return %c0_i32, %c0_i32_0, %arg0 : i32, i32, i32
  }
}

</mosaic_0001>

<sc_bundles>
// kernel: gather_offload_async_start.1
scs
__scs_entry_jumppad:
0x0: {  	(pc) =	sbr.rel $0x88, $3  }
0x1: {  	(tag) =	ssettag $0x0;
	lr =	simm.s32 $0x1  }
0x2: {  	[smem:$0x3F94] =	sst lr;
	_ =	strace $0xD0000000  }
0x3: {  	_ = 	snop  }
0x4: {  	_ = 	snop  }
0x5: {  	_ = 	snop  }
0x6: {  	_ = 	snop  }
0x7: {  	_ = 	snop  }
__scs_overlays_trampoline_lowered:
0x8: {  	[smem:$0x3FA3] =	sst s0  }
0x9: {  	[smem:$0x3FA4] =	sst s1  }
0xa: {  	[smem:$0x3FA5] =	sst s2  }
0xb: {  	[smem:$0x3FA6] =	sst s3  }
0xc: {  	[smem:$0x3FA7] =	sst s4  }
0xd: {  	[smem:$0x3FA8] =	sst s5  }
0xe: {  	[smem:$0x3FA9] =	sst s6  }
0xf: {  	[smem:$0x3FAA] =	sst s7  }
0x10: {  	[smem:$0x3FAB] =	sst s8  }
0x11: {  	[smem:$0x3FAC] =	sst s9;
	s0 =	simm.s32 @!p0 $0x0  }
0x12: {  	s1 =	sld [smem:$0x3F92];
	s0 =	simm.s32 @p0 $0x1  }
0x13: {  	[smem:$0x3FAD] =	sst s0;
	s0 =	simm.s32 @!p1 $0x0  }
0x14: {  	s2 =	sld [smem:$0x3F91];
	s0 =	simm.s32 @p1 $0x1  }
0x15: {  	[smem:$0x3FAE] =	sst s0;
	s0 =	simm.s32 @!p2 $0x0  }
0x16: {  	s3 =	sld [smem:$0x3FDB];
	s0 =	simm.s32 @p2 $0x1  }
0x17: {  	s4 =	simm.s32 $0x1BF5;
	[smem:$0x3FB0] =	sst s0  }
0x18: {  	s0 =	sld [smem:$0x3F93];
	_ =	swait.ge [sflag:s4], $0x0  }
0x19: {  	s7 =	sld [smem:$0x3F94]  }
0x1a: {  	s8 =	sadd.s32 $0xFFFFE003, lr  }
0x1b: {  	s9 =	sadd.s32 $0xFFFFFEF7, lr;
	s5 =	simm.s32 $0xFFFFFFFF;
	p2 =	slt.u32 s8, $0xFFFFF086  }
0x1c: {  	p1 =	slt.u32 s9, $0xF7A;
	s5 =	simm.s32 @!p2 $0x0  }
0x1d: {  	s5 =	simm.s32 @p1 $0x1;
	p0 =	seq.s32 s7, s2  }
0x1e: {  	s7 =	smul.u32 @!p0 $0xF7A, s2;
	p2 =	seq.s32 @!p0 s5, $0x0  }
0x1f: {  	s9 =	smul.u32 $0xF7A, s1;
	s8 =	simm.s32 @!p0 $0x1BF5;
	p2 =	por !p2, p0  }
0x20: {  	[sflag:s8] =	ssyncset.s32 @!p0 $0xFFFFF086;
	s6 =	sadd.s32 @!p0 s3, s7;
	s7 =	simm.s32 @!p0 $0x108  }
0x21: {  	s3 =	sadd.s32 s3, s9;
	s6 =	sadd.s32 @!p0 $0x88, s6;
	s7 =	simm.s32 @p2 $0x1082  }
0x22: {  	[simem:s7], [sflag:s8] =	dma.local @!p0 [hbm:s6], $0xF7A  }
0x23: {  	s9 =	sor.u32 $0xD0000000, s2;
	s6 =	simm.s32 $0x108;
	_ =	swait.ge @!p0 [sflag:s8], $0x0  }
0x24: {  	s3 =	sadd.s32 $0x88, s3;
	s6 =	simm.s32 @!p1 $0x1082;
	[sflag:s4] =	ssyncset.s32 $0xFFFFF086  }
0x25: {  	[simem:s6], [sflag:s4] =	dma.local [hbm:s3], $0xF7A  }
0x26: {  	[smem:$0x3F94] =	sst s1;
	(tag) =	ssettag s2;
	_ =	strace s9  }
0x27: {  	s1 =	sld [smem:$0x3FA4]  }
0x28: {  	s2 =	sld [smem:$0x3FA5]  }
0x29: {  	s4 =	sld [smem:$0x3FA7]  }
0x2a: {  	p0 =	seq.s32 s5, $0x0;
	s5 =	sld [smem:$0x3FA8]  }
0x2b: {  	s6 =	sld [smem:$0x3FA9]  }
0x2c: {  	s7 =	sld [smem:$0x3FAA]  }
0x2d: {  	s3 =	simm.s32 $0x108;
	s8 =	sld [smem:$0x3FAB]  }
0x2e: {  	s3 =	simm.s32 @!p0 $0x1082;
	s9 =	sld [smem:$0x3FAC]  }
0x2f: {  	lr =	sadd.s32 s0, s3;
	s0 =	sld [smem:$0x3FA3]  }
0x30: {  	s3 =	sld [smem:$0x3FA6]  }
0x31: {  	[smem:$0x3FAF] =	sst s10  }
0x32: {  	s10 =	sld [smem:$0x3FAD];
	_ =	sdelay $0x3  }
0x33: {  	p0 =	seq.s32 s10, $0x1;
	s10 =	sld [smem:$0x3FAF];
	_ =	sdelay $0x3  }
0x34: {  	[smem:$0x3FAF] =	sst s10  }
0x35: {  	s10 =	sld [smem:$0x3FAE];
	_ =	sdelay $0x3  }
0x36: {  	p1 =	seq.s32 s10, $0x1;
	s10 =	sld [smem:$0x3FAF];
	_ =	sdelay $0x3  }
0x37: {  	[smem:$0x3FAF] =	sst s10  }
0x38: {  	s10 =	sld [smem:$0x3FB0]  }
0x39: {  	_ = 	snop;
	(pc) =	sbr.ind lr, $3  }
0x3a: {  	_ = 	snop  }
0x3b: {  	_ = 	snop  }
0x3c: {  	p2 =	seq.s32 s10, $0x1;
	s10 =	sld [smem:$0x3FAF]  }
0x3d: {  	_ =	shalt  }
0x3e: {  	_ =	shalt  }
0x3f: {  	_ =	shalt  }
0x40: {  	_ =	shalt  }
0x41: {  	_ =	shalt  }
0x42: {  	_ =	shalt  }
0x43: {  	_ =	shalt  }
0x44: {  	_ =	shalt  }
0x45: {  	_ =	shalt  }
0x46: {  	_ =	shalt  }
0x47: {  	_ =	shalt  }
0x48: {  	_ =	shalt  }
0x49: {  	_ =	shalt  }
0x4a: {  	_ =	shalt  }
0x4b: {  	_ =	shalt  }
0x4c: {  	_ =	shalt  }
0x4d: {  	_ =	shalt  }
0x4e: {  	_ =	shalt  }
0x4f: {  	_ =	shalt  }
0x50: {  	_ =	shalt  }
0x51: {  	_ =	shalt  }
0x52: {  	_ =	shalt  }
0x53: {  	_ =	shalt  }
0x54: {  	_ =	shalt  }
0x55: {  	_ =	shalt  }
0x56: {  	_ =	shalt  }
0x57: {  	_ =	shalt  }
0x58: {  	_ =	shalt  }
0x59: {  	_ =	shalt  }
0x5a: {  	_ =	shalt  }
0x5b: {  	_ =	shalt  }
0x5c: {  	_ =	shalt  }
0x5d: {  	_ =	shalt  }
0x5e: {  	_ =	shalt  }
0x5f: {  	_ =	shalt  }
0x60: {  	_ =	shalt  }
0x61: {  	_ =	shalt  }
0x62: {  	_ =	shalt  }
0x63: {  	_ =	shalt  }
0x64: {  	_ =	shalt  }
0x65: {  	_ =	shalt  }
0x66: {  	_ =	shalt  }
0x67: {  	_ =	shalt  }
0x68: {  	_ =	shalt  }
0x69: {  	_ =	shalt  }
0x6a: {  	_ =	shalt  }
0x6b: {  	_ =	shalt  }
0x6c: {  	_ =	shalt  }
0x6d: {  	_ =	shalt  }
0x6e: {  	_ =	shalt  }
0x6f: {  	_ =	shalt  }
0x70: {  	_ =	shalt  }
0x71: {  	_ =	shalt  }
0x72: {  	_ =	shalt  }
0x73: {  	_ =	shalt  }
0x74: {  	_ =	shalt  }
0x75: {  	_ =	shalt  }
0x76: {  	_ =	shalt  }
0x77: {  	_ =	shalt  }
0x78: {  	_ =	shalt  }
0x79: {  	_ =	shalt  }
0x7a: {  	_ =	shalt  }
0x7b: {  	_ =	shalt  }
0x7c: {  	_ =	shalt  }
0x7d: {  	_ =	shalt  }
0x7e: {  	_ =	shalt  }
0x7f: {  	_ =	shalt  }
0x80: {  	_ =	shalt  }
0x81: {  	_ =	shalt  }
0x82: {  	_ =	shalt  }
0x83: {  	_ =	shalt  }
0x84: {  	_ =	shalt  }
0x85: {  	_ =	shalt  }
0x86: {  	_ =	shalt  }
0x87: {  	_ =	shalt  }
.Lfunc_end0:
.L_simem_size_0:
called_computation.1_lowered:
.L_overlay_start_0:
0x88: {  	s2 =	sld [smem:$0x3FD9]  }
0x89: {  	s3 =	sld [smem:$0x3FFE];
	_ =	sdelay $0x1  }
0x8a: {  	s1 =	srdreg.scid  }
0x8b: {  	s0 =	sand.u32 $0x1, s1  }
0x8c: {  	s17 =	sshll.u32 s0, $0xA;
	s2 =	sadd.s32 s3, s2  }
0x8d: {  	s2 =	sadd.s32 s2, s17  }
0x8e: {  	[smem:$0x3FBB] =	sst s2  }
0x8f: {  	_ = 	snop  }
0x90: {  	s18 =	sld [smem:$0x3FC6];
	(tm) =	ssettm $0x1  }
0x91: {  	s19 =	sld [smem:$0x3FFB];
	_ =	sdelay $0x3  }
0x92: {  	_ =	strace s19  }
0x93: {  	s2 =	sld [smem:$0x3FFC];
	_ =	sdelay $0x3  }
0x94: {  	_ =	strace s2  }
0x95: {  	s2 =	sld [smem:$0x3FFD];
	_ =	sdelay $0x3  }
0x96: {  	_ =	strace s2  }
0x97: {  	_ =	strace $0x8FFFFFFF  }
0x98: {  	s20 =	sld [smem:$0x3FDB];
	_ =	sdelay $0x1  }
0x99: {  	s4 =	simm.s32 $_scs_section_size  }
0x9a: {  	s5 =	simm.s32 $_size__tile_overlayer_lowered;
	s6 =	simm.s32 $_tile_overlayer_lowered  }
0x9b: {  	s7 =	simm.s32 $0x1BFF;
	s21 =	sshll.u32 s6, $0x1;
	s4 =	sadd.s32 s4, s20  }
0x9c: {  	s22 =	simm.s32 $0x0;
	s5 =	sshll.u32 s5, $0x1;
	s6 =	sadd.s32 s21, s4  }
0x9d: {  	[timem:s22], [sflag:s7] =	dma.local [hbm:s6], s5  }
0x9e: {  	_ =	swait.ge [sflag:s7], s5  }
0x9f: {  	s5 =	ssub.s32 $0x0, s5;
	[sflag:s7] =	ssyncset.done $0x0  }
0xa0: {  	[sflag:s7] =	ssyncadd.s32 s5;
	_ =	sdelay $0x1  }
0xa1: {  	s23 =	simm.s32 $0x1B8B  }
0xa2: {  	_ =	swait.ge [sflag:s23], $0x1  }
0xa3: {  	[sflag:s23] =	ssyncset.done $0x0  }
0xa4: {  	[sflag:s23] =	ssyncadd.s32 $0xFFFFFFFF  }
0xa5: {  	s5 =	sld [smem:$0x0]  }
0xa6: {  	s6 =	sand.u32 $0xFFFFFFFE, s1  }
0xa7: {  	p0 =	sne.s32 s1, s6  }
0xa8: {  	s6 =	sshll.u32 @p0 s6, $0xE  }
0xa9: {  	s6 =	sadd.s32 @p0 $0x11B8D, s6;
	s7 =	sshll.u32 @p0 s5, $0x11  }
0xaa: {  	s6 =	sor.u32 @p0 s7, s6  }
0xab: {  	[sflag:s6] =	ssyncadd.remote.s32 @p0 $0x1;
	_ =	sdelay $0x1  }
0xac: {  	s6 =	simm.s32 @p0 $0x1B8D  }
0xad: {  	_ =	swait.eq @p0 [sflag:s6], $0x1  }
0xae: {  	[sflag:s6] =	ssyncadd.s32 @p0 $0xFFFFFFFF  }
0xaf: {  	s7 =	sshll.u32 @!p0 s1, $0xE  }
0xb0: {  	s7 =	sor.u32 @!p0 $0x4000, s7;
	s6 =	simm.s32 @!p0 $0x1B8D  }
0xb1: {  	s5 =	sshll.u32 @!p0 s5, $0x11;
	s7 =	sadd.s32 @!p0 $0x11B8D, s7;
	_ =	swait.eq @!p0 [sflag:s6], $0x1  }
0xb2: {  	s5 =	sor.u32 @!p0 s5, s7;
	[sflag:s6] =	ssyncadd.s32 @!p0 $0xFFFFFFFF  }
0xb3: {  	s25 =	simm.s32 $0x1B8E;
	s24 =	sld [smem:$0x3FFE];
	[sflag:s5] =	ssyncadd.remote.s32 @!p0 $0x1  }
0xb4: {  	s26 =	simm.s32 $execute0_lowered;
	[smem:$0x3FD2] =	sst s25  }
0xb5: {  	s6 =	sshll.u32 s26, $0x1;
	_ =	strace $0x80000049;
	[dreg:$0x1] =	wrdreg $0xFFFFFFFF  }
0xb6: {  	s28 =	simm.s32 $_size_execute0_lowered;
	s4 =	sadd.s32 s4, s6;
	[dreg:$0x0] =	wrdreg $0x0  }
0xb7: {  	s6 =	sshll.u32 s28, $0x1;
	[dreg:$0x2] =	wrdreg s4  }
0xb8: {  	[dreg:$0x3] =	wrdreg s6  }
0xb9: {  	[dreg:$0x4] =	wrdreg $0xC0  }
0xba: {  	_ =	task [dreg:s22], $0x5FFFF  }
0xbb: {  	[dreg:$0x1] =	wrdreg $0xFFFFFFFF  }
0xbc: {  	[dreg:$0x0] =	wrdreg $0x60  }
0xbd: {  	[dreg:$0x2] =	wrdreg s18  }
0xbe: {  	[dreg:$0x3] =	wrdreg s24  }
0xbf: {  	[dreg:$0x4] =	wrdreg $0x9  }
0xc0: {  	_ =	task.clear_ibuf [dreg:s22], $0x5FFFF;
	_ =	strace $0x90000049  }
0xc1: {  	s29 =	simm.s32 $0x9;
	_ =	strace $0x8000004B  }
0xc2: {  	_ =	swait.ge [sflag:s29], $0x1  }
0xc3: {  	[sflag:s29] =	ssyncadd.s32 $0xFFFFFFFF  }
0xc4: {  	_ =	strace $0x9000004B  }
0xc5: {  	_ =	sfence  }
0xc6: {  	s30 =	sld [smem:$0x0];
	_ =	sdelay $0x2  }
0xc7: {  	s31 =	sshll.u32 s1, $0xD;
	s1 =	sshrl.u32 s1, $0x2  }
0xc8: {  	s4 =	sand.u32 $0x4000, s31;
	s1 =	sadd.s32 s1, s30  }
0xc9: {  	s0 =	sor.u32 s4, s0;
	s1 =	sshll.u32 s1, $0x11  }
0xca: {  	s0 =	sor.u32 s1, s0  }
0xcb: {  	s0 =	sadd.s32 $0x8F2B, s0  }
0xcc: {  	[sflag:s0] =	ssyncadd.remote.s32 $0x1  }
0xcd: {  	_ =	sfence.sel $0xFFFF  }
0xce: {  	[dreg:$0x0] =	wrdreg $0xFFFFFFFF;
	(pc) =	sbr.abs _section_cstart, $3  }
0xcf: {  	[dreg:$0x1] =	wrdreg $0xFFFFFFFF  }
0xd0: {  	_ =	task.clear_ibuf [dreg:s22], $0x2FFFF;
	_ =	strace $0x9FFFFFFF  }
0xd1: {  	(tm) =	ssettm $0x7FFFFFFF  }
tec
execute0_lowered:
.L_overlay_start_1:
0x0: {  	(tag) =	ssettag $0x1  }
0x1: {  	s1 =	srdreg.scid;
	s2 =	rddreg [dreg:$0x0]  }
0x2: {  	s0 =	stileid.u32;
	s5 =	rddreg [dreg:$0x1];
	s6 =	simm.s32 $0x1  }
0x3: {  	s9 =	simm.s32 $0x1;
	s10 =	simm.s32 $0x3;
	s1 =	sshll.u32 s1, $0x8  }
0x4: {  	s13 =	simm.s32 $0x0;
	s3 =	sshll.u32 s0, $0x9;
	s4 =	sand.u32 $0x100, s1  }
0x5: {  	s12 =	simm.s32 $0x0;
	s1 =	rddreg [dreg:$0x2];
	s3 =	sor.u32 s3, s4  }
0x6: {  	_ =	strace $0x8000004A;
	s4 =	sadd.s32 $0x1600, s5;
	s8 =	ssub.s32 $0x4000, s3  }
.Ltmp0:
0x7: {  	s5 =	sadd.s32 $0x48E00, s5;
	s7 =	sand.u32 $0x1F00, s8;
	(pc) =	sbr.rel .LBB2_1-.Ltmp0, $4  }
0x8: {  	[sflag:s6] =	ssyncpa.u1 $0x0;
	s11 =	smov.u32 s3;
	p0 =	sne.s32 s7, $0x0  }
0x9: {  	s8 =	sshrl.u32 s8, $0xD;
	s7 =	simm.s32 $0x2;
	s9 =	simm.s32 @!p0 $0x0  }
0xa: {  	[sflag:s7] =	ssyncpa.u1 $0x0;
	p0 =	por $0x0, $0x0;
	s8 =	sadd.s32 s9, s8  }
0xb: {  	vm0 =	vmmov $0xffff;
	[sflag:s10] =	ssyncpa.u1 $0x0;
	s10 =	simm.s32 $0x0;
	s9 =	sadd.s32 $0x1, s8  }
.LBB2_4:
0xc: {  	v2 =	vnsel vm1, $0x0, v2  }
0xd: {  	vm1 =	vgt.s32 v0, $0x0;
	v2 =	vmin.u32 v2, $0x3FFF  }
0xe: {  	v0 =	vnsel vm1, $0x0, v0  }
0xf: {  	v0 =	vmin.u32 v0, $0x3FFF  }
0x10: {  	[tilespmem:s15], [sflag:$0x1] =	stream.indirect_vreg.gather [hbm4b:s2+s10], $0x1, v1, vm0, $0x4038;
	[tilespmem:$0x400] =	vst v63  }
0x11: {  	(ifvalue) =	ssetifvalue $0x7FFFFFFF  }
0x12: {  	[tilespmem:s16], [sflag:$0x1] =	stream.indirect_vreg.gather [hbm4b:s2+s10], $0x1, v2, vm0, $0x4038;
	[tilespmem:$0x400] =	vst v63  }
0x13: {  	s29 =	sadd.s32 $0x10, s16;
	(ifvalue) =	ssetifvalue $0x7FFFFFFF  }
0x14: {  	[tilespmem:s29], [sflag:$0x1] =	stream.indirect_vreg.gather [hbm4b:s2+s10], $0x1, v0, vm0, $0x4038;
	[tilespmem:$0x400] =	vst v63  }
0x15: {  	_ =	swait.ge [sflag:s6], $0x100  }
0x16: {  	s30 =	sshrl.u32 s13, $0x3;
	[sflag:s6] =	ssyncset.done $0x0  }
0x17: {  	s31 =	sand.u32 $0x7, s13;
	s15 =	sadd.s32 s5, s30;
	[sflag:s6] =	ssyncadd.s32 $0xFFFFFF00  }
0x18: {  	[hbm4b:s15+s31] =	stream.linear.scatter [tilespmem:s14], [sflag:$0x3], $0x100, $0x38;
	[tilespmem:$0x400] =	vst v63  }
.LBB2_5:
0x19: {  	s15 =	sadd.s32 $0x2000, s11  }
0x1a: {  	p2 =	sgt.s32 s15, $0x3FFF  }
0x1b: {  	s15 =	smov.u32 @p2 s3;
	p2 =	sne.s32 s12, s9  }
.Ltmp1:
0x1c: {  	p1 =	slt.u32 s12, $0x2;
	(pc) =	sbr.rel @!p2 .LBB2_6-.Ltmp1, $4  }
0x1d: {  	s14 =	simm.s32 @!p1 $0x3  }
0x1e: {  	s16 =	sadd.s32 $0x1, s12;
	_ =	swait.ge @!p1 [sflag:s14], $0x100  }
0x1f: {  	s13 =	smov.u32 s11;
	p0 =	por !p0, !p0;
	[sflag:s14] =	ssyncset.done @!p1 $0x0  }
0x20: {  	s12 =	smov.u32 s16;
	s11 =	smov.u32 s15;
	[sflag:s14] =	ssyncadd.s32 @!p1 $0xFFFFFF00  }
.LBB2_1:
0x21: {  	p1 =	sge.u32 s12, s8  }
0x22: {  	s14 =	sxor.u32 @!p1 $0xFFFFFFFF, s12  }
0x23: {  	s31 =	sadd.s32 $0xFFFFFFFF, s12;
	s15 =	sshrl.u32 @!p1 s11, $0x3;
	s14 =	sshll.u32 @!p1 s14, $0x8  }
0x24: {  	s16 =	sand.u32 @!p1 $0x7, s11;
	s15 =	sadd.s32 @!p1 s4, s15;
	s14 =	sand.u32 @!p1 $0x100, s14  }
0x25: {  	[tilespmem:s14], [sflag:$0x2] =	stream.linear.gather @!p1 [hbm4b:s15+s16], $0x100, $0x38;
	[tilespmem:$0x400] =	vst v63  }
0x26: {  	p1 =	sge.u32 s31, s8  }
.Ltmp2:
0x27: {  	_ = 	snop;
	(pc) =	sbr.rel @p1 .LBB2_5-.Ltmp2, $1  }
0x28: {  	_ =	sdelay $0x3  }
0x29: {  	s14 =	simm.s32 $0x1  }
0x2a: {  	_ =	swait.ge [sflag:s7], $0x100;
	s14 =	simm.s32 @!p0 $0x0  }
0x2b: {  	[sflag:s7] =	ssyncset.done $0x0;
	s14 =	sshll.u32 s14, $0x8  }
0x2c: {  	[sflag:s7] =	ssyncadd.s32 $0xFFFFFF00;
	(ifvalue) =	ssetifvalue $0x7FFFFFFF;
	v0 =	vld.msk [tilespmem:s14+$0x0 ss:$0x1], $0xffff;
	_ =	sdelay $0x4  }
0x2d: {  	s15 =	sadd.s32 $0x10, s14;
	vm1 =	vgt.s32 v0, $0x0  }
0x2e: {  	v2 =	vld.msk [tilespmem:s15+$0x0 ss:$0x1], $0xffff;
	v1 =	vnsel vm1, $0x0, v0  }
0x2f: {  	v1 =	vmin.u32 v1, $0x3FFF;
	_ =	sdelay $0x1  }
0x30: {  	s16 =	sshll.u32 s12, $0x8;
	s18 =	simm.s32 $0x20  }
0x31: {  	s16 =	sand.u32 $0x100, s16;
	s17 =	sadd.s32 $0x10, s15;
	s15 =	sor.u32 $0x200, s14  }
0x32: {  	s14 =	sor.u32 $0x200, s16;
	s16 =	sadd.s32 $0x10, s15;
	v0 =	vld.msk [tilespmem:s17+$0x0 ss:$0x1], $0xffff;
	vm1 =	vgt.s32 v2, $0x0;
	(ifvalue) =	ssetifvalue $0x7FFFFFFF  }
.LBB2_3:
0x33: {  	[tilespmem:s15], [sflag:$0x1] =	stream.indirect_vreg.gather [hbm4b:s2+s10], $0x1, v1, vm0, $0x4038;
	[tilespmem:$0x400] =	vst v63  }
0x34: {  	s18 =	sadd.s32 $0x10, s18  }
0x35: {  	v2 =	vnsel vm1, $0x0, v2;
	p1 =	slt.u32 s18, $0xF0  }
.Ltmp3:
0x36: {  	s15 =	smov.u32 s16;
	v1 =	vmin.u32 v2, $0x3FFF;
	(pc) =	sbr.rel @p1 .LBB2_3-.Ltmp3, $3  }
0x37: {  	_ =	sdelay $0x1  }
0x38: {  	s17 =	sadd.s32 $0x10, s17  }
0x39: {  	vm1 =	vgt.s32 v0, $0x0;
	s16 =	sadd.s32 $0x10, s16;
	v2 =	vmov v0;
	(ifvalue) =	ssetifvalue $0x7FFFFFFF;
	v0 =	vld.msk [tilespmem:s17+$0x0 ss:$0x1], $0xffff  }
.Ltmp4:
0x3a: {  	_ = 	snop;
	(pc) =	sbr.rel .LBB2_4-.Ltmp4, $1  }
0x3b: {  	_ =	sdelay $0x3  }
.LBB2_6:
0x3c: {  	_ =	sfence.sel $0x180000  }
0x3d: {  	s2 =	simm.s32 $0x2;
	[bflag:$0x0] =	sbarrier.arrive $0xFFFF  }
0x3e: {  	s30 =	simm.s32 $0x3;
	[sflag:s2] =	ssyncpa.u1 $0x1  }
0x3f: {  	s31 =	simm.s32 $0x1;
	[sflag:s30] =	ssyncpa.u1 $0x1  }
0x40: {  	[sflag:s31] =	ssyncpa.u1 $0x1  }
0x41: {  	p0 =	sne.s32 s0, $0x0;
	_ =	strace $0x9000004A  }
0x42: {  	s0 =	sadd.s32 @!p0 $0x100000, s1;
	[bflag:$0x2] =	sbarrier.arrive $0xFFFF  }
0x43: {  	[sflag:s0] =	ssyncadd.tile.s32 @!p0 $0x1;
	_ =	shalt  }
.Lfunc_end2:
_tile_overlayer_lowered:
.L_overlay_start_2:
0x44: {  	(tag) =	ssettag $0x2  }
0x45: {  	s0 =	rddreg [dreg:$0x0];
	s2 =	stileid.u32  }
0x46: {  	s1 =	rddreg [dreg:$0x1];
	p0 =	sne.s32 s2, $0x0  }
0x47: {  	s3 =	rddreg [dreg:$0x2];
	[bflag:$0x3] =	sbarrier.arrive $0xFFFF;
	s2 =	simm.s32 @!p0 $0x1C01  }
0x48: {  	[timem:s3], [sflag:s2] =	dma.local @!p0 [hbm:s0], s1  }
0x49: {  	s0 =	simm.s32 @!p0 $0x1  }
0x4a: {  	_ =	swait.ge @!p0 [sflag:s0], s1  }
0x4b: {  	s1 =	ssub.s32 @!p0 $0x0, s1;
	[sflag:s0] =	ssyncset.done @!p0 $0x0  }
0x4c: {  	[sflag:s0] =	ssyncadd.s32 @!p0 s1  }
0x4d: {  	[bflag:$0x3] =	sbarrier.arrive $0xFFFF  }
0x4e: {  	_ =	shalt  }

// kernel: gather_offload_async_start.2
scs
__scs_entry_jumppad:
0x0: {  	(pc) =	sbr.rel $0x88, $3  }
0x1: {  	(tag) =	ssettag $0x0;
	lr =	simm.s32 $0x1  }
0x2: {  	[smem:$0x3F94] =	sst lr;
	_ =	strace $0xD0000000  }
0x3: {  	_ = 	snop  }
0x4: {  	_ = 	snop  }
0x5: {  	_ = 	snop  }
0x6: {  	_ = 	snop  }
0x7: {  	_ = 	snop  }
__scs_overlays_trampoline_lowered:
0x8: {  	[smem:$0x3FA3] =	sst s0  }
0x9: {  	[smem:$0x3FA4] =	sst s1  }
0xa: {  	[smem:$0x3FA5] =	sst s2  }
0xb: {  	[smem:$0x3FA6] =	sst s3  }
0xc: {  	[smem:$0x3FA7] =	sst s4  }
0xd: {  	[smem:$0x3FA8] =	sst s5  }
0xe: {  	[smem:$0x3FA9] =	sst s6  }
0xf: {  	[smem:$0x3FAA] =	sst s7  }
0x10: {  	[smem:$0x3FAB] =	sst s8  }
0x11: {  	[smem:$0x3FAC] =	sst s9;
	s0 =	simm.s32 @!p0 $0x0  }
0x12: {  	s1 =	sld [smem:$0x3F92];
	s0 =	simm.s32 @p0 $0x1  }
0x13: {  	[smem:$0x3FAD] =	sst s0;
	s0 =	simm.s32 @!p1 $0x0  }
0x14: {  	s2 =	sld [smem:$0x3F91];
	s0 =	simm.s32 @p1 $0x1  }
0x15: {  	[smem:$0x3FAE] =	sst s0;
	s0 =	simm.s32 @!p2 $0x0  }
0x16: {  	s3 =	sld [smem:$0x3FDB];
	s0 =	simm.s32 @p2 $0x1  }
0x17: {  	s4 =	simm.s32 $0x1BF5;
	[smem:$0x3FB0] =	sst s0  }
0x18: {  	s0 =	sld [smem:$0x3F93];
	_ =	swait.ge [sflag:s4], $0x0  }
0x19: {  	s7 =	sld [smem:$0x3F94]  }
0x1a: {  	s8 =	sadd.s32 $0xFFFFE003, lr  }
0x1b: {  	s9 =	sadd.s32 $0xFFFFFEF7, lr;
	s5 =	simm.s32 $0xFFFFFFFF;
	p2 =	slt.u32 s8, $0xFFFFF086  }
0x1c: {  	p1 =	slt.u32 s9, $0xF7A;
	s5 =	simm.s32 @!p2 $0x0  }
0x1d: {  	s5 =	simm.s32 @p1 $0x1;
	p0 =	seq.s32 s7, s2  }
0x1e: {  	s7 =	smul.u32 @!p0 $0xF7A, s2;
	p2 =	seq.s32 @!p0 s5, $0x0  }
0x1f: {  	s9 =	smul.u32 $0xF7A, s1;
	s8 =	simm.s32 @!p0 $0x1BF5;
	p2 =	por !p2, p0  }
0x20: {  	[sflag:s8] =	ssyncset.s32 @!p0 $0xFFFFF086;
	s6 =	sadd.s32 @!p0 s3, s7;
	s7 =	simm.s32 @!p0 $0x108  }
0x21: {  	s3 =	sadd.s32 s3, s9;
	s6 =	sadd.s32 @!p0 $0x88, s6;
	s7 =	simm.s32 @p2 $0x1082  }
0x22: {  	[simem:s7], [sflag:s8] =	dma.local @!p0 [hbm:s6], $0xF7A  }
0x23: {  	s9 =	sor.u32 $0xD0000000, s2;
	s6 =	simm.s32 $0x108;
	_ =	swait.ge @!p0 [sflag:s8], $0x0  }
0x24: {  	s3 =	sadd.s32 $0x88, s3;
	s6 =	simm.s32 @!p1 $0x1082;
	[sflag:s4] =	ssyncset.s32 $0xFFFFF086  }
0x25: {  	[simem:s6], [sflag:s4] =	dma.local [hbm:s3], $0xF7A  }
0x26: {  	[smem:$0x3F94] =	sst s1;
	(tag) =	ssettag s2;
	_ =	strace s9  }
0x27: {  	s1 =	sld [smem:$0x3FA4]  }
0x28: {  	s2 =	sld [smem:$0x3FA5]  }
0x29: {  	s4 =	sld [smem:$0x3FA7]  }
0x2a: {  	p0 =	seq.s32 s5, $0x0;
	s5 =	sld [smem:$0x3FA8]  }
0x2b: {  	s6 =	sld [smem:$0x3FA9]  }
0x2c: {  	s7 =	sld [smem:$0x3FAA]  }
0x2d: {  	s3 =	simm.s32 $0x108;
	s8 =	sld [smem:$0x3FAB]  }
0x2e: {  	s3 =	simm.s32 @!p0 $0x1082;
	s9 =	sld [smem:$0x3FAC]  }
0x2f: {  	lr =	sadd.s32 s0, s3;
	s0 =	sld [smem:$0x3FA3]  }
0x30: {  	s3 =	sld [smem:$0x3FA6]  }
0x31: {  	[smem:$0x3FAF] =	sst s10  }
0x32: {  	s10 =	sld [smem:$0x3FAD];
	_ =	sdelay $0x3  }
0x33: {  	p0 =	seq.s32 s10, $0x1;
	s10 =	sld [smem:$0x3FAF];
	_ =	sdelay $0x3  }
0x34: {  	[smem:$0x3FAF] =	sst s10  }
0x35: {  	s10 =	sld [smem:$0x3FAE];
	_ =	sdelay $0x3  }
0x36: {  	p1 =	seq.s32 s10, $0x1;
	s10 =	sld [smem:$0x3FAF];
	_ =	sdelay $0x3  }
0x37: {  	[smem:$0x3FAF] =	sst s10  }
0x38: {  	s10 =	sld [smem:$0x3FB0]  }
0x39: {  	_ = 	snop;
	(pc) =	sbr.ind lr, $3  }
0x3a: {  	_ = 	snop  }
0x3b: {  	_ = 	snop  }
0x3c: {  	p2 =	seq.s32 s10, $0x1;
	s10 =	sld [smem:$0x3FAF]  }
0x3d: {  	_ =	shalt  }
0x3e: {  	_ =	shalt  }
0x3f: {  	_ =	shalt  }
0x40: {  	_ =	shalt  }
0x41: {  	_ =	shalt  }
0x42: {  	_ =	shalt  }
0x43: {  	_ =	shalt  }
0x44: {  	_ =	shalt  }
0x45: {  	_ =	shalt  }
0x46: {  	_ =	shalt  }
0x47: {  	_ =	shalt  }
0x48: {  	_ =	shalt  }
0x49: {  	_ =	shalt  }
0x4a: {  	_ =	shalt  }
0x4b: {  	_ =	shalt  }
0x4c: {  	_ =	shalt  }
0x4d: {  	_ =	shalt  }
0x4e: {  	_ =	shalt  }
0x4f: {  	_ =	shalt  }
0x50: {  	_ =	shalt  }
0x51: {  	_ =	shalt  }
0x52: {  	_ =	shalt  }
0x53: {  	_ =	shalt  }
0x54: {  	_ =	shalt  }
0x55: {  	_ =	shalt  }
0x56: {  	_ =	shalt  }
0x57: {  	_ =	shalt  }
0x58: {  	_ =	shalt  }
0x59: {  	_ =	shalt  }
0x5a: {  	_ =	shalt  }
0x5b: {  	_ =	shalt  }
0x5c: {  	_ =	shalt  }
0x5d: {  	_ =	shalt  }
0x5e: {  	_ =	shalt  }
0x5f: {  	_ =	shalt  }
0x60: {  	_ =	shalt  }
0x61: {  	_ =	shalt  }
0x62: {  	_ =	shalt  }
0x63: {  	_ =	shalt  }
0x64: {  	_ =	shalt  }
0x65: {  	_ =	shalt  }
0x66: {  	_ =	shalt  }
0x67: {  	_ =	shalt  }
0x68: {  	_ =	shalt  }
0x69: {  	_ =	shalt  }
0x6a: {  	_ =	shalt  }
0x6b: {  	_ =	shalt  }
0x6c: {  	_ =	shalt  }
0x6d: {  	_ =	shalt  }
0x6e: {  	_ =	shalt  }
0x6f: {  	_ =	shalt  }
0x70: {  	_ =	shalt  }
0x71: {  	_ =	shalt  }
0x72: {  	_ =	shalt  }
0x73: {  	_ =	shalt  }
0x74: {  	_ =	shalt  }
0x75: {  	_ =	shalt  }
0x76: {  	_ =	shalt  }
0x77: {  	_ =	shalt  }
0x78: {  	_ =	shalt  }
0x79: {  	_ =	shalt  }
0x7a: {  	_ =	shalt  }
0x7b: {  	_ =	shalt  }
0x7c: {  	_ =	shalt  }
0x7d: {  	_ =	shalt  }
0x7e: {  	_ =	shalt  }
0x7f: {  	_ =	shalt  }
0x80: {  	_ =	shalt  }
0x81: {  	_ =	shalt  }
0x82: {  	_ =	shalt  }
0x83: {  	_ =	shalt  }
0x84: {  	_ =	shalt  }
0x85: {  	_ =	shalt  }
0x86: {  	_ =	shalt  }
0x87: {  	_ =	shalt  }
.Lfunc_end0:
.L_simem_size_0:
called_computation.2_lowered:
.L_overlay_start_0:
0x88: {  	s2 =	sld [smem:$0x3FD9]  }
0x89: {  	s3 =	sld [smem:$0x3FFE];
	_ =	sdelay $0x1  }
0x8a: {  	s1 =	srdreg.scid  }
0x8b: {  	s0 =	sand.u32 $0x1, s1  }
0x8c: {  	s17 =	sshll.u32 s0, $0xA;
	s2 =	sadd.s32 s3, s2  }
0x8d: {  	s2 =	sadd.s32 s2, s17  }
0x8e: {  	[smem:$0x3FBB] =	sst s2  }
0x8f: {  	_ = 	snop  }
0x90: {  	s18 =	sld [smem:$0x3FD0];
	(tm) =	ssettm $0x1  }
0x91: {  	s19 =	sld [smem:$0x3FFB];
	_ =	sdelay $0x3  }
0x92: {  	_ =	strace s19  }
0x93: {  	s2 =	sld [smem:$0x3FFC];
	_ =	sdelay $0x3  }
0x94: {  	_ =	strace s2  }
0x95: {  	s2 =	sld [smem:$0x3FFD];
	_ =	sdelay $0x3  }
0x96: {  	_ =	strace s2  }
0x97: {  	_ =	strace $0x8FFFFFFF  }
0x98: {  	s20 =	sld [smem:$0x3FDB];
	_ =	sdelay $0x1  }
0x99: {  	s4 =	simm.s32 $_scs_section_size  }
0x9a: {  	s5 =	simm.s32 $_size__tile_overlayer_lowered;
	s6 =	simm.s32 $_tile_overlayer_lowered  }
0x9b: {  	s7 =	simm.s32 $0x1BFF;
	s21 =	sshll.u32 s6, $0x1;
	s4 =	sadd.s32 s4, s20  }
0x9c: {  	s22 =	simm.s32 $0x0;
	s5 =	sshll.u32 s5, $0x1;
	s6 =	sadd.s32 s21, s4  }
0x9d: {  	[timem:s22], [sflag:s7] =	dma.local [hbm:s6], s5  }
0x9e: {  	_ =	swait.ge [sflag:s7], s5  }
0x9f: {  	s5 =	ssub.s32 $0x0, s5;
	[sflag:s7] =	ssyncset.done $0x0  }
0xa0: {  	[sflag:s7] =	ssyncadd.s32 s5;
	_ =	sdelay $0x1  }
0xa1: {  	s23 =	simm.s32 $0x1B8B  }
0xa2: {  	_ =	swait.ge [sflag:s23], $0x1  }
0xa3: {  	[sflag:s23] =	ssyncset.done $0x0  }
0xa4: {  	[sflag:s23] =	ssyncadd.s32 $0xFFFFFFFF  }
0xa5: {  	s5 =	sld [smem:$0x0]  }
0xa6: {  	s6 =	sand.u32 $0xFFFFFFFE, s1  }
0xa7: {  	p0 =	sne.s32 s1, s6  }
0xa8: {  	s6 =	sshll.u32 @p0 s6, $0xE  }
0xa9: {  	s6 =	sadd.s32 @p0 $0x11B8D, s6;
	s7 =	sshll.u32 @p0 s5, $0x11  }
0xaa: {  	s6 =	sor.u32 @p0 s7, s6  }
0xab: {  	[sflag:s6] =	ssyncadd.remote.s32 @p0 $0x1;
	_ =	sdelay $0x1  }
0xac: {  	s6 =	simm.s32 @p0 $0x1B8D  }
0xad: {  	_ =	swait.eq @p0 [sflag:s6], $0x1  }
0xae: {  	[sflag:s6] =	ssyncadd.s32 @p0 $0xFFFFFFFF  }
0xaf: {  	s7 =	sshll.u32 @!p0 s1, $0xE  }
0xb0: {  	s7 =	sor.u32 @!p0 $0x4000, s7;
	s6 =	simm.s32 @!p0 $0x1B8D  }
0xb1: {  	s5 =	sshll.u32 @!p0 s5, $0x11;
	s7 =	sadd.s32 @!p0 $0x11B8D, s7;
	_ =	swait.eq @!p0 [sflag:s6], $0x1  }
0xb2: {  	s5 =	sor.u32 @!p0 s5, s7;
	[sflag:s6] =	ssyncadd.s32 @!p0 $0xFFFFFFFF  }
0xb3: {  	s25 =	simm.s32 $0x1B8E;
	s24 =	sld [smem:$0x3FFE];
	[sflag:s5] =	ssyncadd.remote.s32 @!p0 $0x1  }
0xb4: {  	s26 =	simm.s32 $execute0_lowered;
	[smem:$0x3FD2] =	sst s25  }
0xb5: {  	s6 =	sshll.u32 s26, $0x1;
	_ =	strace $0x8000004F;
	[dreg:$0x1] =	wrdreg $0xFFFFFFFF  }
0xb6: {  	s28 =	simm.s32 $_size_execute0_lowered;
	s4 =	sadd.s32 s4, s6;
	[dreg:$0x0] =	wrdreg $0x0  }
0xb7: {  	s6 =	sshll.u32 s28, $0x1;
	[dreg:$0x2] =	wrdreg s4  }
0xb8: {  	[dreg:$0x3] =	wrdreg s6  }
0xb9: {  	[dreg:$0x4] =	wrdreg $0xC0  }
0xba: {  	_ =	task [dreg:s22], $0x5FFFF  }
0xbb: {  	[dreg:$0x1] =	wrdreg $0xFFFFFFFF  }
0xbc: {  	[dreg:$0x0] =	wrdreg $0x60  }
0xbd: {  	[dreg:$0x2] =	wrdreg s18  }
0xbe: {  	[dreg:$0x3] =	wrdreg s24  }
0xbf: {  	[dreg:$0x4] =	wrdreg $0x9  }
0xc0: {  	_ =	task.clear_ibuf [dreg:s22], $0x5FFFF;
	_ =	strace $0x9000004F  }
0xc1: {  	s29 =	simm.s32 $0x9;
	_ =	strace $0x80000051  }
0xc2: {  	_ =	swait.ge [sflag:s29], $0x1  }
0xc3: {  	[sflag:s29] =	ssyncadd.s32 $0xFFFFFFFF  }
0xc4: {  	_ =	strace $0x90000051  }
0xc5: {  	_ =	sfence  }
0xc6: {  	s30 =	sld [smem:$0x0];
	_ =	sdelay $0x2  }
0xc7: {  	s31 =	sshll.u32 s1, $0xD;
	s1 =	sshrl.u32 s1, $0x2  }
0xc8: {  	s4 =	sand.u32 $0x4000, s31;
	s1 =	sadd.s32 s1, s30  }
0xc9: {  	s0 =	sor.u32 s4, s0;
	s1 =	sshll.u32 s1, $0x11  }
0xca: {  	s0 =	sor.u32 s1, s0  }
0xcb: {  	s0 =	sadd.s32 $0x8F2B, s0  }
0xcc: {  	[sflag:s0] =	ssyncadd.remote.s32 $0x1  }
0xcd: {  	_ =	sfence.sel $0xFFFF  }
0xce: {  	[dreg:$0x0] =	wrdreg $0xFFFFFFFF;
	(pc) =	sbr.abs _section_cstart, $3  }
0xcf: {  	[dreg:$0x1] =	wrdreg $0xFFFFFFFF  }
0xd0: {  	_ =	task.clear_ibuf [dreg:s22], $0x2FFFF;
	_ =	strace $0x9FFFFFFF  }
0xd1: {  	(tm) =	ssettm $0x7FFFFFFF  }
tec
execute0_lowered:
.L_overlay_start_1:
0x0: {  	(tag) =	ssettag $0x1  }
0x1: {  	s2 =	rddreg [dreg:$0x0]  }
0x2: {  	s7 =	rddreg [dreg:$0x1]  }
0x3: {  	s0 =	rddreg [dreg:$0x2]  }
0x4: {  	s1 =	srdreg.scid;
	_ =	strace $0x80000050;
	s4 =	simm.s32 $0x1  }
0x5: {  	s9 =	simm.s32 $0x3;
	s11 =	simm.s32 $0x0;
	s5 =	sshll.u32 s1, $0x4  }
.Ltmp0:
0x6: {  	s1 =	stileid.u32;
	s5 =	sand.u32 $0x10, s5;
	(pc) =	sbr.rel .LBB2_1-.Ltmp0, $4  }
0x7: {  	p0 =	por $0x0, $0x0;
	s3 =	sadd.s32 $0x1E00, s7;
	s6 =	sor.u32 s1, s5  }
0x8: {  	[sflag:s4] =	ssyncpa.u1 $0x0;
	s5 =	simm.s32 $0x2;
	s6 =	sshll.u32 s6, $0x9  }
0x9: {  	s7 =	sadd.s32 $0x89600, s7;
	[sflag:s5] =	ssyncpa.u1 $0x0;
	s8 =	sadd.s32 $0x200, s6  }
0xa: {  	vm0 =	vmmov $0xff;
	vm1 =	vcmask $0x3F20;
	[sflag:s9] =	ssyncpa.u1 $0x0;
	s10 =	smov.u32 s6;
	s9 =	simm.s32 $0x0  }
.LBB2_7:
0xb: {  	p1 =	slt.u32 s9, $0x2;
	s11 =	sadd.s32 $0x100, s10  }
0xc: {  	s13 =	smov.u32 s6;
	s9 =	sadd.s32 $0x1, s9;
	p2 =	slt.s32 s11, s8  }
0xd: {  	s13 =	smov.u32 @p2 s11;
	p2 =	sne.s32 s9, $0x4  }
.Ltmp1:
0xe: {  	_ = 	snop;
	(pc) =	sbr.rel @!p2 .LBB2_8-.Ltmp1, $4  }
0xf: {  	s12 =	simm.s32 @!p1 $0x3  }
0x10: {  	_ =	swait.ge @!p1 [sflag:s12], $0x8000  }
0x11: {  	p0 =	por !p0, !p0;
	[sflag:s12] =	ssyncset.done @!p1 $0x0  }
0x12: {  	s11 =	smov.u32 s10;
	s10 =	smov.u32 s13;
	[sflag:s12] =	ssyncadd.s32 @!p1 $0xFFFF8000  }
.LBB2_1:
0x13: {  	p1 =	sgt.u32 s9, $0x1  }
0x14: {  	s12 =	sshll.u32 @!p1 s9, $0x8;
	s13 =	sshrl.u32 @!p1 s10, $0x3  }
0x15: {  	s14 =	sand.u32 @!p1 $0x7, s10;
	s12 =	sxor.u32 @!p1 $0x100, s12;
	s13 =	sadd.s32 @!p1 s3, s13  }
0x16: {  	[tilespmem:s12], [sflag:$0x2] =	stream.linear.gather @!p1 [hbm4b:s13+s14], $0x100, $0x38;
	[tilespmem:$0x10200] =	vst v63  }
0x17: {  	p1 =	seq.s32 s9, $0x0  }
0x18: {  	p2 =	seq.s32 @!p1 s9, $0x3  }
0x19: {  	p1 =	por p1, p2  }
.Ltmp2:
0x1a: {  	_ = 	snop;
	(pc) =	sbr.rel @p1 .LBB2_7-.Ltmp2, $1  }
0x1b: {  	_ =	sdelay $0x3  }
0x1c: {  	s12 =	simm.s32 $0x1  }
0x1d: {  	_ =	swait.ge [sflag:s5], $0x100;
	s12 =	simm.s32 @!p0 $0x0  }
0x1e: {  	[sflag:s5] =	ssyncset.done $0x0;
	s14 =	sshll.u32 s12, $0x8  }
0x1f: {  	[sflag:s5] =	ssyncadd.s32 $0xFFFFFF00;
	s13 =	sadd.s32 $0x0, s14  }
0x20: {  	v0 =	vld.msk [tilespmem:s13+$0x0 ss:$0x1], $0xffff;
	_ =	sdelay $0x4  }
0x21: {  	vm2 =	vgt.s32 v0, $0x0  }
0x22: {  	v0 =	vnsel vm2, $0x0, v0  }
0x23: {  	v0 =	vmin.u32 v0, $0x3FFF  }
0x24: {  	v0 =	vshll.u32 v0, $0x4;
	_ =	sdelay $0x2  }
0x25: {  	s12 =	sshll.u32 s12, $0xF  }
0x26: {  	s12 =	sor.u32 $0x200, s12  }
0x27: {  	[tilespmem:s12], [sflag:$0x1] =	stream.indirect_vreg.gather [hbm:s2], $0x80, v0, vm0, $0x38;
	[tilespmem:$0x10200] =	vst v63  }
0x28: {  	s15 =	sadd.s32 $0x10, s14;
	s13 =	sadd.s32 $0x400, s12  }
0x29: {  	[tilespmem:s13], [sflag:$0x1] =	stream.indirect_vreg.gather [hbm:s2], $0x80, v0, vm1, $0x38;
	[tilespmem:$0x10200] =	vst v63  }
0x2a: {  	s16 =	simm.s32 $0x80;
	v0 =	vld.msk [tilespmem:s15+$0x0 ss:$0x1], $0xffff;
	s15 =	smov.u32 s12  }
.LBB2_3:
0x2b: {  	p1 =	sne.s32 s16, $0x3C0;
	_ =	sdelay $0x4  }
0x2c: {  	vm2 =	vgt.s32 v0, $0x0  }
0x2d: {  	v0 =	vnsel vm2, $0x0, v0  }
0x2e: {  	v0 =	vmin.u32 v0, $0x3FFF  }
0x2f: {  	v0 =	vshll.u32 v0, $0x4;
	_ =	sdelay $0x3  }
.Ltmp3:
0x30: {  	s17 =	sshra.s32 s16, $0x2;
	s15 =	sadd.s32 $0x800, s15;
	(pc) =	sbr.rel @p1 .LBB2_3-.Ltmp3, $4  }
0x31: {  	[tilespmem:s15], [sflag:$0x1] =	stream.indirect_vreg.gather [hbm:s2], $0x80, v0, vm0, $0x38;
	[tilespmem:$0x10200] =	vst v63  }
0x32: {  	s17 =	sadd.s32 s17, s14;
	s18 =	sadd.s32 $0x400, s15  }
0x33: {  	[tilespmem:s18], [sflag:$0x1] =	stream.indirect_vreg.gather [hbm:s2], $0x80, v0, vm1, $0x38;
	[tilespmem:$0x10200] =	vst v63  }
0x34: {  	s16 =	sadd.s32 $0x40, s16;
	v0 =	vld.msk [tilespmem:s17+$0x0 ss:$0x1], $0xffff  }
0x35: {  	_ =	sdelay $0x3  }
0x36: {  	vm2 =	vgt.s32 v0, $0x0  }
0x37: {  	v0 =	vnsel vm2, $0x0, v0  }
0x38: {  	v0 =	vmin.u32 v0, $0x3FFF  }
0x39: {  	v0 =	vshll.u32 v0, $0x4;
	_ =	sdelay $0x3  }
0x3a: {  	s14 =	sadd.s32 $0x800, s15  }
0x3b: {  	[tilespmem:s14], [sflag:$0x1] =	stream.indirect_vreg.gather [hbm:s2], $0x80, v0, vm0, $0x38;
	[tilespmem:$0x10200] =	vst v63  }
0x3c: {  	s14 =	sadd.s32 $0x400, s14  }
0x3d: {  	[tilespmem:s14], [sflag:$0x1] =	stream.indirect_vreg.gather [hbm:s2], $0x80, v0, vm1, $0x38;
	[tilespmem:$0x10200] =	vst v63  }
0x3e: {  	s11 =	sshll.u32 s11, $0x4;
	_ =	swait.ge [sflag:s4], $0x8000  }
0x3f: {  	s11 =	sadd.s32 s11, s7;
	[sflag:s4] =	ssyncset.done $0x0  }
0x40: {  	s15 =	sadd.s32 $0x0, s11;
	s14 =	simm.s32 $0x80;
	[sflag:s4] =	ssyncadd.s32 $0xFFFF8000  }
.LBB2_5:
0x41: {  	[hbm:s15] =	stream.linear.scatter [tilespmem:s12], [sflag:$0x3], $0x400, $0x38;
	[tilespmem:$0x10200] =	vst v63  }
0x42: {  	s15 =	smov.u32 s14;
	s12 =	smov.u32 s13;
	p1 =	sne.s32 s14, $0xF80  }
.Ltmp4:
0x43: {  	s14 =	sadd.s32 $0x80, s14;
	(pc) =	sbr.rel @p1 .LBB2_5-.Ltmp4, $2  }
0x44: {  	_ =	sdelay $0x2  }
0x45: {  	s13 =	sadd.s32 $0x400, s13;
	s15 =	sadd.s32 s15, s11  }
.Ltmp5:
0x46: {  	(pc) =	sbr.rel .LBB2_7-.Ltmp5, $2  }
0x47: {  	_ =	sdelay $0x2  }
0x48: {  	[hbm:s15] =	stream.linear.scatter [tilespmem:s12], [sflag:$0x3], $0x400, $0x38;
	[tilespmem:$0x10200] =	vst v63  }
.LBB2_8:
0x49: {  	_ =	sfence.sel $0x180000  }
0x4a: {  	s2 =	simm.s32 $0x2;
	[bflag:$0x0] =	sbarrier.arrive $0xFFFF  }
0x4b: {  	s30 =	simm.s32 $0x3;
	[sflag:s2] =	ssyncpa.u1 $0x1  }
0x4c: {  	s31 =	simm.s32 $0x1;
	[sflag:s30] =	ssyncpa.u1 $0x1  }
0x4d: {  	[sflag:s31] =	ssyncpa.u1 $0x1  }
0x4e: {  	p0 =	sne.s32 s1, $0x0;
	_ =	strace $0x90000050  }
0x4f: {  	s0 =	sadd.s32 @!p0 $0x100000, s0;
	[bflag:$0x2] =	sbarrier.arrive $0xFFFF  }
0x50: {  	[sflag:s0] =	ssyncadd.tile.s32 @!p0 $0x1;
	_ =	shalt  }
.Lfunc_end2:
_tile_overlayer_lowered:
.L_overlay_start_2:
0x51: {  	(tag) =	ssettag $0x2  }
0x52: {  	s0 =	rddreg [dreg:$0x0];
	s2 =	stileid.u32  }
0x53: {  	s1 =	rddreg [dreg:$0x1];
	p0 =	sne.s32 s2, $0x0  }
0x54: {  	s3 =	rddreg [dreg:$0x2];
	[bflag:$0x3] =	sbarrier.arrive $0xFFFF;
	s2 =	simm.s32 @!p0 $0x1C01  }
0x55: {  	[timem:s3], [sflag:s2] =	dma.local @!p0 [hbm:s0], s1  }
0x56: {  	s0 =	simm.s32 @!p0 $0x1  }
0x57: {  	_ =	swait.ge @!p0 [sflag:s0], s1  }
0x58: {  	s1 =	ssub.s32 @!p0 $0x0, s1;
	[sflag:s0] =	ssyncset.done @!p0 $0x0  }
0x59: {  	[sflag:s0] =	ssyncadd.s32 @!p0 s1  }
0x5a: {  	[bflag:$0x3] =	sbarrier.arrive $0xFFFF  }
0x5b: {  	_ =	shalt  }

// kernel: gather_offload_async_start.3
scs
__scs_entry_jumppad:
0x0: {  	(pc) =	sbr.rel $0x88, $3  }
0x1: {  	(tag) =	ssettag $0x0;
	lr =	simm.s32 $0x1  }
0x2: {  	[smem:$0x3F94] =	sst lr;
	_ =	strace $0xD0000000  }
0x3: {  	_ = 	snop  }
0x4: {  	_ = 	snop  }
0x5: {  	_ = 	snop  }
0x6: {  	_ = 	snop  }
0x7: {  	_ = 	snop  }
__scs_overlays_trampoline_lowered:
0x8: {  	[smem:$0x3FA3] =	sst s0  }
0x9: {  	[smem:$0x3FA4] =	sst s1  }
0xa: {  	[smem:$0x3FA5] =	sst s2  }
0xb: {  	[smem:$0x3FA6] =	sst s3  }
0xc: {  	[smem:$0x3FA7] =	sst s4  }
0xd: {  	[smem:$0x3FA8] =	sst s5  }
0xe: {  	[smem:$0x3FA9] =	sst s6  }
0xf: {  	[smem:$0x3FAA] =	sst s7  }
0x10: {  	[smem:$0x3FAB] =	sst s8  }
0x11: {  	[smem:$0x3FAC] =	sst s9;
	s0 =	simm.s32 @!p0 $0x0  }
0x12: {  	s1 =	sld [smem:$0x3F92];
	s0 =	simm.s32 @p0 $0x1  }
0x13: {  	[smem:$0x3FAD] =	sst s0;
	s0 =	simm.s32 @!p1 $0x0  }
0x14: {  	s2 =	sld [smem:$0x3F91];
	s0 =	simm.s32 @p1 $0x1  }
0x15: {  	[smem:$0x3FAE] =	sst s0;
	s0 =	simm.s32 @!p2 $0x0  }
0x16: {  	s3 =	sld [smem:$0x3FDB];
	s0 =	simm.s32 @p2 $0x1  }
0x17: {  	s4 =	simm.s32 $0x1BF5;
	[smem:$0x3FB0] =	sst s0  }
0x18: {  	s0 =	sld [smem:$0x3F93];
	_ =	swait.ge [sflag:s4], $0x0  }
0x19: {  	s7 =	sld [smem:$0x3F94]  }
0x1a: {  	s8 =	sadd.s32 $0xFFFFE003, lr  }
0x1b: {  	s9 =	sadd.s32 $0xFFFFFEF7, lr;
	s5 =	simm.s32 $0xFFFFFFFF;
	p2 =	slt.u32 s8, $0xFFFFF086  }
0x1c: {  	p1 =	slt.u32 s9, $0xF7A;
	s5 =	simm.s32 @!p2 $0x0  }
0x1d: {  	s5 =	simm.s32 @p1 $0x1;
	p0 =	seq.s32 s7, s2  }
0x1e: {  	s7 =	smul.u32 @!p0 $0xF7A, s2;
	p2 =	seq.s32 @!p0 s5, $0x0  }
0x1f: {  	s9 =	smul.u32 $0xF7A, s1;
	s8 =	simm.s32 @!p0 $0x1BF5;
	p2 =	por !p2, p0  }
0x20: {  	[sflag:s8] =	ssyncset.s32 @!p0 $0xFFFFF086;
	s6 =	sadd.s32 @!p0 s3, s7;
	s7 =	simm.s32 @!p0 $0x108  }
0x21: {  	s3 =	sadd.s32 s3, s9;
	s6 =	sadd.s32 @!p0 $0x88, s6;
	s7 =	simm.s32 @p2 $0x1082  }
0x22: {  	[simem:s7], [sflag:s8] =	dma.local @!p0 [hbm:s6], $0xF7A  }
0x23: {  	s9 =	sor.u32 $0xD0000000, s2;
	s6 =	simm.s32 $0x108;
	_ =	swait.ge @!p0 [sflag:s8], $0x0  }
0x24: {  	s3 =	sadd.s32 $0x88, s3;
	s6 =	simm.s32 @!p1 $0x1082;
	[sflag:s4] =	ssyncset.s32 $0xFFFFF086  }
0x25: {  	[simem:s6], [sflag:s4] =	dma.local [hbm:s3], $0xF7A  }
0x26: {  	[smem:$0x3F94] =	sst s1;
	(tag) =	ssettag s2;
	_ =	strace s9  }
0x27: {  	s1 =	sld [smem:$0x3FA4]  }
0x28: {  	s2 =	sld [smem:$0x3FA5]  }
0x29: {  	s4 =	sld [smem:$0x3FA7]  }
0x2a: {  	p0 =	seq.s32 s5, $0x0;
	s5 =	sld [smem:$0x3FA8]  }
0x2b: {  	s6 =	sld [smem:$0x3FA9]  }
0x2c: {  	s7 =	sld [smem:$0x3FAA]  }
0x2d: {  	s3 =	simm.s32 $0x108;
	s8 =	sld [smem:$0x3FAB]  }
0x2e: {  	s3 =	simm.s32 @!p0 $0x1082;
	s9 =	sld [smem:$0x3FAC]  }
0x2f: {  	lr =	sadd.s32 s0, s3;
	s0 =	sld [smem:$0x3FA3]  }
0x30: {  	s3 =	sld [smem:$0x3FA6]  }
0x31: {  	[smem:$0x3FAF] =	sst s10  }
0x32: {  	s10 =	sld [smem:$0x3FAD];
	_ =	sdelay $0x3  }
0x33: {  	p0 =	seq.s32 s10, $0x1;
	s10 =	sld [smem:$0x3FAF];
	_ =	sdelay $0x3  }
0x34: {  	[smem:$0x3FAF] =	sst s10  }
0x35: {  	s10 =	sld [smem:$0x3FAE];
	_ =	sdelay $0x3  }
0x36: {  	p1 =	seq.s32 s10, $0x1;
	s10 =	sld [smem:$0x3FAF];
	_ =	sdelay $0x3  }
0x37: {  	[smem:$0x3FAF] =	sst s10  }
0x38: {  	s10 =	sld [smem:$0x3FB0]  }
0x39: {  	_ = 	snop;
	(pc) =	sbr.ind lr, $3  }
0x3a: {  	_ = 	snop  }
0x3b: {  	_ = 	snop  }
0x3c: {  	p2 =	seq.s32 s10, $0x1;
	s10 =	sld [smem:$0x3FAF]  }
0x3d: {  	_ =	shalt  }
0x3e: {  	_ =	shalt  }
0x3f: {  	_ =	shalt  }
0x40: {  	_ =	shalt  }
0x41: {  	_ =	shalt  }
0x42: {  	_ =	shalt  }
0x43: {  	_ =	shalt  }
0x44: {  	_ =	shalt  }
0x45: {  	_ =	shalt  }
0x46: {  	_ =	shalt  }
0x47: {  	_ =	shalt  }
0x48: {  	_ =	shalt  }
0x49: {  	_ =	shalt  }
0x4a: {  	_ =	shalt  }
0x4b: {  	_ =	shalt  }
0x4c: {  	_ =	shalt  }
0x4d: {  	_ =	shalt  }
0x4e: {  	_ =	shalt  }
0x4f: {  	_ =	shalt  }
0x50: {  	_ =	shalt  }
0x51: {  	_ =	shalt  }
0x52: {  	_ =	shalt  }
0x53: {  	_ =	shalt  }
0x54: {  	_ =	shalt  }
0x55: {  	_ =	shalt  }
0x56: {  	_ =	shalt  }
0x57: {  	_ =	shalt  }
0x58: {  	_ =	shalt  }
0x59: {  	_ =	shalt  }
0x5a: {  	_ =	shalt  }
0x5b: {  	_ =	shalt  }
0x5c: {  	_ =	shalt  }
0x5d: {  	_ =	shalt  }
0x5e: {  	_ =	shalt  }
0x5f: {  	_ =	shalt  }
0x60: {  	_ =	shalt  }
0x61: {  	_ =	shalt  }
0x62: {  	_ =	shalt  }
0x63: {  	_ =	shalt  }
0x64: {  	_ =	shalt  }
0x65: {  	_ =	shalt  }
0x66: {  	_ =	shalt  }
0x67: {  	_ =	shalt  }
0x68: {  	_ =	shalt  }
0x69: {  	_ =	shalt  }
0x6a: {  	_ =	shalt  }
0x6b: {  	_ =	shalt  }
0x6c: {  	_ =	shalt  }
0x6d: {  	_ =	shalt  }
0x6e: {  	_ =	shalt  }
0x6f: {  	_ =	shalt  }
0x70: {  	_ =	shalt  }
0x71: {  	_ =	shalt  }
0x72: {  	_ =	shalt  }
0x73: {  	_ =	shalt  }
0x74: {  	_ =	shalt  }
0x75: {  	_ =	shalt  }
0x76: {  	_ =	shalt  }
0x77: {  	_ =	shalt  }
0x78: {  	_ =	shalt  }
0x79: {  	_ =	shalt  }
0x7a: {  	_ =	shalt  }
0x7b: {  	_ =	shalt  }
0x7c: {  	_ =	shalt  }
0x7d: {  	_ =	shalt  }
0x7e: {  	_ =	shalt  }
0x7f: {  	_ =	shalt  }
0x80: {  	_ =	shalt  }
0x81: {  	_ =	shalt  }
0x82: {  	_ =	shalt  }
0x83: {  	_ =	shalt  }
0x84: {  	_ =	shalt  }
0x85: {  	_ =	shalt  }
0x86: {  	_ =	shalt  }
0x87: {  	_ =	shalt  }
.Lfunc_end0:
.L_simem_size_0:
called_computation.3_lowered:
.L_overlay_start_0:
0x88: {  	s2 =	sld [smem:$0x3FD9]  }
0x89: {  	s3 =	sld [smem:$0x3FFE];
	_ =	sdelay $0x1  }
0x8a: {  	s1 =	srdreg.scid  }
0x8b: {  	s0 =	sand.u32 $0x1, s1  }
0x8c: {  	s17 =	sshll.u32 s0, $0xA;
	s2 =	sadd.s32 s3, s2  }
0x8d: {  	s2 =	sadd.s32 s2, s17  }
0x8e: {  	[smem:$0x3FBB] =	sst s2  }
0x8f: {  	_ = 	snop  }
0x90: {  	(tm) =	ssettm $0x1  }
0x91: {  	s18 =	sld [smem:$0x3FFB];
	_ =	sdelay $0x3  }
0x92: {  	_ =	strace s18  }
0x93: {  	s2 =	sld [smem:$0x3FFC];
	_ =	sdelay $0x3  }
0x94: {  	_ =	strace s2  }
0x95: {  	s2 =	sld [smem:$0x3FFD];
	_ =	sdelay $0x3  }
0x96: {  	_ =	strace s2  }
0x97: {  	_ =	strace $0x8FFFFFFF  }
0x98: {  	s19 =	sld [smem:$0x3FDB];
	_ =	sdelay $0x1  }
0x99: {  	s20 =	simm.s32 $_scs_section_size  }
0x9a: {  	s4 =	simm.s32 $_size__tile_overlayer_lowered;
	s5 =	simm.s32 $_tile_overlayer_lowered  }
0x9b: {  	s6 =	simm.s32 $0x1BFF;
	s21 =	sshll.u32 s5, $0x1;
	s3 =	sadd.s32 s20, s19  }
0x9c: {  	s22 =	simm.s32 $0x0;
	s4 =	sshll.u32 s4, $0x1;
	s5 =	sadd.s32 s21, s3  }
0x9d: {  	[timem:s22], [sflag:s6] =	dma.local [hbm:s5], s4  }
0x9e: {  	_ =	swait.ge [sflag:s6], s4  }
0x9f: {  	s4 =	ssub.s32 $0x0, s4;
	[sflag:s6] =	ssyncset.done $0x0  }
0xa0: {  	[sflag:s6] =	ssyncadd.s32 s4;
	_ =	sdelay $0x1  }
0xa1: {  	s23 =	simm.s32 $0x1B8B  }
0xa2: {  	_ =	swait.ge [sflag:s23], $0x1  }
0xa3: {  	[sflag:s23] =	ssyncset.done $0x0  }
0xa4: {  	[sflag:s23] =	ssyncadd.s32 $0xFFFFFFFF  }
0xa5: {  	s4 =	sld [smem:$0x0]  }
0xa6: {  	s5 =	sand.u32 $0xFFFFFFFE, s1  }
0xa7: {  	p0 =	sne.s32 s1, s5  }
0xa8: {  	s5 =	sshll.u32 @p0 s5, $0xE  }
0xa9: {  	s5 =	sadd.s32 @p0 $0x11B8D, s5;
	s6 =	sshll.u32 @p0 s4, $0x11  }
0xaa: {  	s5 =	sor.u32 @p0 s6, s5  }
0xab: {  	[sflag:s5] =	ssyncadd.remote.s32 @p0 $0x1;
	_ =	sdelay $0x1  }
0xac: {  	s5 =	simm.s32 @p0 $0x1B8D  }
0xad: {  	_ =	swait.eq @p0 [sflag:s5], $0x1  }
0xae: {  	[sflag:s5] =	ssyncadd.s32 @p0 $0xFFFFFFFF  }
0xaf: {  	s6 =	sshll.u32 @!p0 s1, $0xE  }
0xb0: {  	s6 =	sor.u32 @!p0 $0x4000, s6;
	s5 =	simm.s32 @!p0 $0x1B8D  }
0xb1: {  	s4 =	sshll.u32 @!p0 s4, $0x11;
	s6 =	sadd.s32 @!p0 $0x11B8D, s6;
	_ =	swait.eq @!p0 [sflag:s5], $0x1  }
0xb2: {  	s4 =	sor.u32 @!p0 s4, s6;
	[sflag:s5] =	ssyncadd.s32 @!p0 $0xFFFFFFFF  }
0xb3: {  	s25 =	simm.s32 $0x1B8E;
	s24 =	sld [smem:$0x3FFE];
	[sflag:s4] =	ssyncadd.remote.s32 @!p0 $0x1  }
0xb4: {  	s26 =	simm.s32 $execute0_lowered;
	[smem:$0x3FD2] =	sst s25  }
0xb5: {  	s5 =	sshll.u32 s26, $0x1;
	_ =	strace $0x8000004C;
	[dreg:$0x1] =	wrdreg $0xFFFFFFFF  }
0xb6: {  	s28 =	simm.s32 $_size_execute0_lowered;
	s3 =	sadd.s32 s3, s5;
	[dreg:$0x0] =	wrdreg $0x0  }
0xb7: {  	s5 =	sshll.u32 s28, $0x1;
	[dreg:$0x2] =	wrdreg s3  }
0xb8: {  	[dreg:$0x3] =	wrdreg s5  }
0xb9: {  	[dreg:$0x4] =	wrdreg $0xC0  }
0xba: {  	_ =	task [dreg:s22], $0x5FFFF  }
0xbb: {  	[dreg:$0x1] =	wrdreg $0xFFFFFFFF  }
0xbc: {  	[dreg:$0x0] =	wrdreg $0x60  }
0xbd: {  	[dreg:$0x2] =	wrdreg s24  }
0xbe: {  	[dreg:$0x3] =	wrdreg $0xA  }
0xbf: {  	_ =	task.clear_ibuf [dreg:s22], $0x4FFFF;
	_ =	strace $0x9000004C  }
0xc0: {  	s29 =	simm.s32 $0xA;
	_ =	strace $0x8000004E  }
0xc1: {  	_ =	swait.ge [sflag:s29], $0x1  }
0xc2: {  	[sflag:s29] =	ssyncadd.s32 $0xFFFFFFFF  }
0xc3: {  	_ =	strace $0x9000004E  }
0xc4: {  	_ =	sfence  }
0xc5: {  	s30 =	sld [smem:$0x0];
	_ =	sdelay $0x2  }
0xc6: {  	s31 =	sshll.u32 s1, $0xD;
	s1 =	sshrl.u32 s1, $0x2  }
0xc7: {  	s4 =	sand.u32 $0x4000, s31;
	s1 =	sadd.s32 s1, s30  }
0xc8: {  	s0 =	sor.u32 s4, s0;
	s1 =	sshll.u32 s1, $0x11  }
0xc9: {  	s0 =	sor.u32 s1, s0  }
0xca: {  	s0 =	sadd.s32 $0x8F2B, s0  }
0xcb: {  	[sflag:s0] =	ssyncadd.remote.s32 $0x1  }
0xcc: {  	_ =	sfence.sel $0xFFFF  }
0xcd: {  	[dreg:$0x0] =	wrdreg $0xFFFFFFFF;
	(pc) =	sbr.abs _section_cstart, $3  }
0xce: {  	[dreg:$0x1] =	wrdreg $0xFFFFFFFF  }
0xcf: {  	_ =	task.clear_ibuf [dreg:s22], $0x2FFFF;
	_ =	strace $0x9FFFFFFF  }
0xd0: {  	(tm) =	ssettm $0x7FFFFFFF  }
0xd1: {  	_ =	shalt  }
tec
execute0_lowered:
.L_overlay_start_1:
0x0: {  	(tag) =	ssettag $0x1  }
0x1: {  	s7 =	rddreg [dreg:$0x0]  }
0x2: {  	s0 =	rddreg [dreg:$0x1];
	_ =	strace $0x8000004D  }
0x3: {  	s1 =	srdreg.scid;
	s4 =	simm.s32 $0x1;
	s9 =	simm.s32 $0x3  }
0x4: {  	s11 =	simm.s32 $0x0;
	p0 =	por $0x0, $0x0;
	s5 =	sshll.u32 s1, $0x4  }
.Ltmp0:
0x5: {  	s1 =	stileid.u32;
	s5 =	sand.u32 $0x10, s5;
	(pc) =	sbr.rel .LBB2_1-.Ltmp0, $4  }
0x6: {  	s2 =	sadd.s32 $0x8E00, s7;
	s3 =	sadd.s32 $0x1600, s7;
	s6 =	sor.u32 s1, s5  }
0x7: {  	[sflag:s4] =	ssyncpa.u1 $0x0;
	s5 =	simm.s32 $0x2;
	s6 =	sshll.u32 s6, $0x9  }
0x8: {  	s7 =	sadd.s32 $0x49600, s7;
	[sflag:s5] =	ssyncpa.u1 $0x0;
	s8 =	sadd.s32 $0x200, s6  }
0x9: {  	vm0 =	vmmov $0xff;
	vm1 =	vcmask $0x3F20;
	[sflag:s9] =	ssyncpa.u1 $0x0;
	s10 =	smov.u32 s6;
	s9 =	simm.s32 $0x0  }
.LBB2_7:
0xa: {  	p1 =	slt.u32 s9, $0x2;
	s11 =	sadd.s32 $0x100, s10  }
0xb: {  	s13 =	smov.u32 s6;
	s9 =	sadd.s32 $0x1, s9;
	p2 =	slt.s32 s11, s8  }
0xc: {  	s13 =	smov.u32 @p2 s11;
	p2 =	sne.s32 s9, $0x4  }
.Ltmp1:
0xd: {  	_ = 	snop;
	(pc) =	sbr.rel @!p2 .LBB2_8-.Ltmp1, $4  }
0xe: {  	s12 =	simm.s32 @!p1 $0x3  }
0xf: {  	_ =	swait.ge @!p1 [sflag:s12], $0x8000  }
0x10: {  	p0 =	por !p0, !p0;
	[sflag:s12] =	ssyncset.done @!p1 $0x0  }
0x11: {  	s11 =	smov.u32 s10;
	s10 =	smov.u32 s13;
	[sflag:s12] =	ssyncadd.s32 @!p1 $0xFFFF8000  }
.LBB2_1:
0x12: {  	p1 =	sgt.u32 s9, $0x1  }
0x13: {  	s12 =	sshll.u32 @!p1 s9, $0x8;
	s13 =	sshrl.u32 @!p1 s10, $0x3  }
0x14: {  	s14 =	sand.u32 @!p1 $0x7, s10;
	s12 =	sxor.u32 @!p1 $0x100, s12;
	s13 =	sadd.s32 @!p1 s3, s13  }
0x15: {  	[tilespmem:s12], [sflag:$0x2] =	stream.linear.gather @!p1 [hbm4b:s13+s14], $0x100, $0x38;
	[tilespmem:$0x10200] =	vst v63  }
0x16: {  	p1 =	seq.s32 s9, $0x0  }
0x17: {  	p2 =	seq.s32 @!p1 s9, $0x3  }
0x18: {  	p1 =	por p1, p2  }
.Ltmp2:
0x19: {  	_ = 	snop;
	(pc) =	sbr.rel @p1 .LBB2_7-.Ltmp2, $1  }
0x1a: {  	_ =	sdelay $0x3  }
0x1b: {  	s12 =	simm.s32 $0x1  }
0x1c: {  	_ =	swait.ge [sflag:s5], $0x100;
	s12 =	simm.s32 @!p0 $0x0  }
0x1d: {  	[sflag:s5] =	ssyncset.done $0x0;
	s14 =	sshll.u32 s12, $0x8  }
0x1e: {  	[sflag:s5] =	ssyncadd.s32 $0xFFFFFF00;
	s13 =	sadd.s32 $0x0, s14  }
0x1f: {  	v0 =	vld.msk [tilespmem:s13+$0x0 ss:$0x1], $0xffff;
	_ =	sdelay $0x4  }
0x20: {  	vm2 =	vgt.s32 v0, $0x0  }
0x21: {  	v0 =	vnsel vm2, $0x0, v0  }
0x22: {  	v0 =	vmin.u32 v0, $0x3FFF  }
0x23: {  	v0 =	vshll.u32 v0, $0x4;
	_ =	sdelay $0x2  }
0x24: {  	s12 =	sshll.u32 s12, $0xF  }
0x25: {  	s12 =	sor.u32 $0x200, s12  }
0x26: {  	[tilespmem:s12], [sflag:$0x1] =	stream.indirect_vreg.gather [hbm:s2], $0x80, v0, vm0, $0x38;
	[tilespmem:$0x10200] =	vst v63  }
0x27: {  	s15 =	sadd.s32 $0x10, s14;
	s13 =	sadd.s32 $0x400, s12  }
0x28: {  	[tilespmem:s13], [sflag:$0x1] =	stream.indirect_vreg.gather [hbm:s2], $0x80, v0, vm1, $0x38;
	[tilespmem:$0x10200] =	vst v63  }
0x29: {  	s16 =	simm.s32 $0x80;
	v0 =	vld.msk [tilespmem:s15+$0x0 ss:$0x1], $0xffff;
	s15 =	smov.u32 s12  }
.LBB2_3:
0x2a: {  	p1 =	sne.s32 s16, $0x3C0;
	_ =	sdelay $0x4  }
0x2b: {  	vm2 =	vgt.s32 v0, $0x0  }
0x2c: {  	v0 =	vnsel vm2, $0x0, v0  }
0x2d: {  	v0 =	vmin.u32 v0, $0x3FFF  }
0x2e: {  	v0 =	vshll.u32 v0, $0x4;
	_ =	sdelay $0x3  }
.Ltmp3:
0x2f: {  	s17 =	sshra.s32 s16, $0x2;
	s15 =	sadd.s32 $0x800, s15;
	(pc) =	sbr.rel @p1 .LBB2_3-.Ltmp3, $4  }
0x30: {  	[tilespmem:s15], [sflag:$0x1] =	stream.indirect_vreg.gather [hbm:s2], $0x80, v0, vm0, $0x38;
	[tilespmem:$0x10200] =	vst v63  }
0x31: {  	s17 =	sadd.s32 s17, s14;
	s18 =	sadd.s32 $0x400, s15  }
0x32: {  	[tilespmem:s18], [sflag:$0x1] =	stream.indirect_vreg.gather [hbm:s2], $0x80, v0, vm1, $0x38;
	[tilespmem:$0x10200] =	vst v63  }
0x33: {  	s16 =	sadd.s32 $0x40, s16;
	v0 =	vld.msk [tilespmem:s17+$0x0 ss:$0x1], $0xffff  }
0x34: {  	_ =	sdelay $0x3  }
0x35: {  	vm2 =	vgt.s32 v0, $0x0  }
0x36: {  	v0 =	vnsel vm2, $0x0, v0  }
0x37: {  	v0 =	vmin.u32 v0, $0x3FFF  }
0x38: {  	v0 =	vshll.u32 v0, $0x4;
	_ =	sdelay $0x3  }
0x39: {  	s14 =	sadd.s32 $0x800, s15  }
0x3a: {  	[tilespmem:s14], [sflag:$0x1] =	stream.indirect_vreg.gather [hbm:s2], $0x80, v0, vm0, $0x38;
	[tilespmem:$0x10200] =	vst v63  }
0x3b: {  	s14 =	sadd.s32 $0x400, s14  }
0x3c: {  	[tilespmem:s14], [sflag:$0x1] =	stream.indirect_vreg.gather [hbm:s2], $0x80, v0, vm1, $0x38;
	[tilespmem:$0x10200] =	vst v63  }
0x3d: {  	s11 =	sshll.u32 s11, $0x4;
	_ =	swait.ge [sflag:s4], $0x8000  }
0x3e: {  	s11 =	sadd.s32 s11, s7;
	[sflag:s4] =	ssyncset.done $0x0  }
0x3f: {  	s15 =	sadd.s32 $0x0, s11;
	s14 =	simm.s32 $0x80;
	[sflag:s4] =	ssyncadd.s32 $0xFFFF8000  }
.LBB2_5:
0x40: {  	[hbm:s15] =	stream.linear.scatter [tilespmem:s12], [sflag:$0x3], $0x400, $0x38;
	[tilespmem:$0x10200] =	vst v63  }
0x41: {  	s15 =	smov.u32 s14;
	s12 =	smov.u32 s13;
	p1 =	sne.s32 s14, $0xF80  }
.Ltmp4:
0x42: {  	s14 =	sadd.s32 $0x80, s14;
	(pc) =	sbr.rel @p1 .LBB2_5-.Ltmp4, $2  }
0x43: {  	_ =	sdelay $0x2  }
0x44: {  	s13 =	sadd.s32 $0x400, s13;
	s15 =	sadd.s32 s15, s11  }
.Ltmp5:
0x45: {  	(pc) =	sbr.rel .LBB2_7-.Ltmp5, $2  }
0x46: {  	_ =	sdelay $0x2  }
0x47: {  	[hbm:s15] =	stream.linear.scatter [tilespmem:s12], [sflag:$0x3], $0x400, $0x38;
	[tilespmem:$0x10200] =	vst v63  }
.LBB2_8:
0x48: {  	_ =	sfence.sel $0x180000  }
0x49: {  	s2 =	simm.s32 $0x2;
	[bflag:$0x0] =	sbarrier.arrive $0xFFFF  }
0x4a: {  	s30 =	simm.s32 $0x3;
	[sflag:s2] =	ssyncpa.u1 $0x1  }
0x4b: {  	s31 =	simm.s32 $0x1;
	[sflag:s30] =	ssyncpa.u1 $0x1  }
0x4c: {  	[sflag:s31] =	ssyncpa.u1 $0x1  }
0x4d: {  	p0 =	sne.s32 s1, $0x0;
	_ =	strace $0x9000004D  }
0x4e: {  	s0 =	sadd.s32 @!p0 $0x100000, s0;
	[bflag:$0x2] =	sbarrier.arrive $0xFFFF  }
0x4f: {  	[sflag:s0] =	ssyncadd.tile.s32 @!p0 $0x1;
	_ =	shalt  }
.Lfunc_end2:
_tile_overlayer_lowered:
.L_overlay_start_2:
0x50: {  	(tag) =	ssettag $0x2  }
0x51: {  	s0 =	rddreg [dreg:$0x0];
	s2 =	stileid.u32  }
0x52: {  	s1 =	rddreg [dreg:$0x1];
	p0 =	sne.s32 s2, $0x0  }
0x53: {  	s3 =	rddreg [dreg:$0x2];
	[bflag:$0x3] =	sbarrier.arrive $0xFFFF;
	s2 =	simm.s32 @!p0 $0x1C01  }
0x54: {  	[timem:s3], [sflag:s2] =	dma.local @!p0 [hbm:s0], s1  }
0x55: {  	s0 =	simm.s32 @!p0 $0x1  }
0x56: {  	_ =	swait.ge @!p0 [sflag:s0], s1  }
0x57: {  	s1 =	ssub.s32 @!p0 $0x0, s1;
	[sflag:s0] =	ssyncset.done @!p0 $0x0  }
0x58: {  	[sflag:s0] =	ssyncadd.s32 @!p0 s1  }
0x59: {  	[bflag:$0x3] =	sbarrier.arrive $0xFFFF  }
0x5a: {  	_ =	shalt  }

// kernel: gather_offload_async_start
scs
__scs_entry_jumppad:
0x0: {  	(pc) =	sbr.rel $0x88, $3  }
0x1: {  	(tag) =	ssettag $0x0;
	lr =	simm.s32 $0x1  }
0x2: {  	[smem:$0x3F94] =	sst lr;
	_ =	strace $0xD0000000  }
0x3: {  	_ = 	snop  }
0x4: {  	_ = 	snop  }
0x5: {  	_ = 	snop  }
0x6: {  	_ = 	snop  }
0x7: {  	_ = 	snop  }
__scs_overlays_trampoline_lowered:
0x8: {  	[smem:$0x3FA3] =	sst s0  }
0x9: {  	[smem:$0x3FA4] =	sst s1  }
0xa: {  	[smem:$0x3FA5] =	sst s2  }
0xb: {  	[smem:$0x3FA6] =	sst s3  }
0xc: {  	[smem:$0x3FA7] =	sst s4  }
0xd: {  	[smem:$0x3FA8] =	sst s5  }
0xe: {  	[smem:$0x3FA9] =	sst s6  }
0xf: {  	[smem:$0x3FAA] =	sst s7  }
0x10: {  	[smem:$0x3FAB] =	sst s8  }
0x11: {  	[smem:$0x3FAC] =	sst s9;
	s0 =	simm.s32 @!p0 $0x0  }
0x12: {  	s1 =	sld [smem:$0x3F92];
	s0 =	simm.s32 @p0 $0x1  }
0x13: {  	[smem:$0x3FAD] =	sst s0;
	s0 =	simm.s32 @!p1 $0x0  }
0x14: {  	s2 =	sld [smem:$0x3F91];
	s0 =	simm.s32 @p1 $0x1  }
0x15: {  	[smem:$0x3FAE] =	sst s0;
	s0 =	simm.s32 @!p2 $0x0  }
0x16: {  	s3 =	sld [smem:$0x3FDB];
	s0 =	simm.s32 @p2 $0x1  }
0x17: {  	s4 =	simm.s32 $0x1BF5;
	[smem:$0x3FB0] =	sst s0  }
0x18: {  	s0 =	sld [smem:$0x3F93];
	_ =	swait.ge [sflag:s4], $0x0  }
0x19: {  	s7 =	sld [smem:$0x3F94]  }
0x1a: {  	s8 =	sadd.s32 $0xFFFFE003, lr  }
0x1b: {  	s9 =	sadd.s32 $0xFFFFFEF7, lr;
	s5 =	simm.s32 $0xFFFFFFFF;
	p2 =	slt.u32 s8, $0xFFFFF086  }
0x1c: {  	p1 =	slt.u32 s9, $0xF7A;
	s5 =	simm.s32 @!p2 $0x0  }
0x1d: {  	s5 =	simm.s32 @p1 $0x1;
	p0 =	seq.s32 s7, s2  }
0x1e: {  	s7 =	smul.u32 @!p0 $0xF7A, s2;
	p2 =	seq.s32 @!p0 s5, $0x0  }
0x1f: {  	s9 =	smul.u32 $0xF7A, s1;
	s8 =	simm.s32 @!p0 $0x1BF5;
	p2 =	por !p2, p0  }
0x20: {  	[sflag:s8] =	ssyncset.s32 @!p0 $0xFFFFF086;
	s6 =	sadd.s32 @!p0 s3, s7;
	s7 =	simm.s32 @!p0 $0x108  }
0x21: {  	s3 =	sadd.s32 s3, s9;
	s6 =	sadd.s32 @!p0 $0x88, s6;
	s7 =	simm.s32 @p2 $0x1082  }
0x22: {  	[simem:s7], [sflag:s8] =	dma.local @!p0 [hbm:s6], $0xF7A  }
0x23: {  	s9 =	sor.u32 $0xD0000000, s2;
	s6 =	simm.s32 $0x108;
	_ =	swait.ge @!p0 [sflag:s8], $0x0  }
0x24: {  	s3 =	sadd.s32 $0x88, s3;
	s6 =	simm.s32 @!p1 $0x1082;
	[sflag:s4] =	ssyncset.s32 $0xFFFFF086  }
0x25: {  	[simem:s6], [sflag:s4] =	dma.local [hbm:s3], $0xF7A  }
0x26: {  	[smem:$0x3F94] =	sst s1;
	(tag) =	ssettag s2;
	_ =	strace s9  }
0x27: {  	s1 =	sld [smem:$0x3FA4]  }
0x28: {  	s2 =	sld [smem:$0x3FA5]  }
0x29: {  	s4 =	sld [smem:$0x3FA7]  }
0x2a: {  	p0 =	seq.s32 s5, $0x0;
	s5 =	sld [smem:$0x3FA8]  }
0x2b: {  	s6 =	sld [smem:$0x3FA9]  }
0x2c: {  	s7 =	sld [smem:$0x3FAA]  }
0x2d: {  	s3 =	simm.s32 $0x108;
	s8 =	sld [smem:$0x3FAB]  }
0x2e: {  	s3 =	simm.s32 @!p0 $0x1082;
	s9 =	sld [smem:$0x3FAC]  }
0x2f: {  	lr =	sadd.s32 s0, s3;
	s0 =	sld [smem:$0x3FA3]  }
0x30: {  	s3 =	sld [smem:$0x3FA6]  }
0x31: {  	[smem:$0x3FAF] =	sst s10  }
0x32: {  	s10 =	sld [smem:$0x3FAD];
	_ =	sdelay $0x3  }
0x33: {  	p0 =	seq.s32 s10, $0x1;
	s10 =	sld [smem:$0x3FAF];
	_ =	sdelay $0x3  }
0x34: {  	[smem:$0x3FAF] =	sst s10  }
0x35: {  	s10 =	sld [smem:$0x3FAE];
	_ =	sdelay $0x3  }
0x36: {  	p1 =	seq.s32 s10, $0x1;
	s10 =	sld [smem:$0x3FAF];
	_ =	sdelay $0x3  }
0x37: {  	[smem:$0x3FAF] =	sst s10  }
0x38: {  	s10 =	sld [smem:$0x3FB0]  }
0x39: {  	_ = 	snop;
	(pc) =	sbr.ind lr, $3  }
0x3a: {  	_ = 	snop  }
0x3b: {  	_ = 	snop  }
0x3c: {  	p2 =	seq.s32 s10, $0x1;
	s10 =	sld [smem:$0x3FAF]  }
0x3d: {  	_ =	shalt  }
0x3e: {  	_ =	shalt  }
0x3f: {  	_ =	shalt  }
0x40: {  	_ =	shalt  }
0x41: {  	_ =	shalt  }
0x42: {  	_ =	shalt  }
0x43: {  	_ =	shalt  }
0x44: {  	_ =	shalt  }
0x45: {  	_ =	shalt  }
0x46: {  	_ =	shalt  }
0x47: {  	_ =	shalt  }
0x48: {  	_ =	shalt  }
0x49: {  	_ =	shalt  }
0x4a: {  	_ =	shalt  }
0x4b: {  	_ =	shalt  }
0x4c: {  	_ =	shalt  }
0x4d: {  	_ =	shalt  }
0x4e: {  	_ =	shalt  }
0x4f: {  	_ =	shalt  }
0x50: {  	_ =	shalt  }
0x51: {  	_ =	shalt  }
0x52: {  	_ =	shalt  }
0x53: {  	_ =	shalt  }
0x54: {  	_ =	shalt  }
0x55: {  	_ =	shalt  }
0x56: {  	_ =	shalt  }
0x57: {  	_ =	shalt  }
0x58: {  	_ =	shalt  }
0x59: {  	_ =	shalt  }
0x5a: {  	_ =	shalt  }
0x5b: {  	_ =	shalt  }
0x5c: {  	_ =	shalt  }
0x5d: {  	_ =	shalt  }
0x5e: {  	_ =	shalt  }
0x5f: {  	_ =	shalt  }
0x60: {  	_ =	shalt  }
0x61: {  	_ =	shalt  }
0x62: {  	_ =	shalt  }
0x63: {  	_ =	shalt  }
0x64: {  	_ =	shalt  }
0x65: {  	_ =	shalt  }
0x66: {  	_ =	shalt  }
0x67: {  	_ =	shalt  }
0x68: {  	_ =	shalt  }
0x69: {  	_ =	shalt  }
0x6a: {  	_ =	shalt  }
0x6b: {  	_ =	shalt  }
0x6c: {  	_ =	shalt  }
0x6d: {  	_ =	shalt  }
0x6e: {  	_ =	shalt  }
0x6f: {  	_ =	shalt  }
0x70: {  	_ =	shalt  }
0x71: {  	_ =	shalt  }
0x72: {  	_ =	shalt  }
0x73: {  	_ =	shalt  }
0x74: {  	_ =	shalt  }
0x75: {  	_ =	shalt  }
0x76: {  	_ =	shalt  }
0x77: {  	_ =	shalt  }
0x78: {  	_ =	shalt  }
0x79: {  	_ =	shalt  }
0x7a: {  	_ =	shalt  }
0x7b: {  	_ =	shalt  }
0x7c: {  	_ =	shalt  }
0x7d: {  	_ =	shalt  }
0x7e: {  	_ =	shalt  }
0x7f: {  	_ =	shalt  }
0x80: {  	_ =	shalt  }
0x81: {  	_ =	shalt  }
0x82: {  	_ =	shalt  }
0x83: {  	_ =	shalt  }
0x84: {  	_ =	shalt  }
0x85: {  	_ =	shalt  }
0x86: {  	_ =	shalt  }
0x87: {  	_ =	shalt  }
.Lfunc_end0:
.L_simem_size_0:
called_computation_lowered:
.L_overlay_start_0:
0x88: {  	s2 =	sld [smem:$0x3FD9]  }
0x89: {  	s3 =	sld [smem:$0x3FFE];
	_ =	sdelay $0x1  }
0x8a: {  	s1 =	srdreg.scid  }
0x8b: {  	s0 =	sand.u32 $0x1, s1  }
0x8c: {  	s17 =	sshll.u32 s0, $0xA;
	s2 =	sadd.s32 s3, s2  }
0x8d: {  	s2 =	sadd.s32 s2, s17  }
0x8e: {  	[smem:$0x3FBB] =	sst s2  }
0x8f: {  	_ = 	snop  }
0x90: {  	s2 =	sld [smem:$0x3FC7];
	(tm) =	ssettm $0x1  }
0x91: {  	s18 =	sld [smem:$0x3FFB];
	_ =	sdelay $0x3  }
0x92: {  	_ =	strace s18  }
0x93: {  	s3 =	sld [smem:$0x3FFC];
	_ =	sdelay $0x3  }
0x94: {  	_ =	strace s3  }
0x95: {  	s3 =	sld [smem:$0x3FFD];
	_ =	sdelay $0x3  }
0x96: {  	_ =	strace s3  }
0x97: {  	_ =	strace $0x8FFFFFFF  }
0x98: {  	s19 =	sld [smem:$0x3FDB];
	_ =	sdelay $0x1  }
0x99: {  	s4 =	simm.s32 $_scs_section_size  }
0x9a: {  	s5 =	simm.s32 $_size__tile_overlayer_lowered;
	s6 =	simm.s32 $_tile_overlayer_lowered  }
0x9b: {  	s22 =	simm.s32 $0x1BFF;
	s21 =	sshll.u32 s6, $0x1;
	s3 =	sadd.s32 s4, s19  }
0x9c: {  	s7 =	simm.s32 $0x0;
	s20 =	sshll.u32 s5, $0x1;
	s5 =	sadd.s32 s21, s3  }
0x9d: {  	[timem:s7], [sflag:s22] =	dma.local [hbm:s5], s20  }
0x9e: {  	_ =	swait.ge [sflag:s22], s20  }
0x9f: {  	s4 =	ssub.s32 $0x0, s20;
	[sflag:s22] =	ssyncset.done $0x0  }
0xa0: {  	[sflag:s22] =	ssyncadd.s32 s4;
	_ =	sdelay $0x1  }
0xa1: {  	s23 =	simm.s32 $0x1B8B  }
0xa2: {  	_ =	swait.ge [sflag:s23], $0x1  }
0xa3: {  	[sflag:s23] =	ssyncset.done $0x0  }
0xa4: {  	s25 =	simm.s32 $0x1B8E;
	s24 =	sld [smem:$0x3FFE];
	[sflag:s23] =	ssyncadd.s32 $0xFFFFFFFF  }
0xa5: {  	s26 =	simm.s32 $execute0_lowered;
	[smem:$0x3FD2] =	sst s25  }
0xa6: {  	s5 =	sshll.u32 s26, $0x1;
	_ =	strace $0x80000046;
	[dreg:$0x1] =	wrdreg $0xFFFFFFFF  }
0xa7: {  	s28 =	simm.s32 $_size_execute0_lowered;
	s3 =	sadd.s32 s3, s5;
	[dreg:$0x0] =	wrdreg $0x0  }
0xa8: {  	s5 =	sshll.u32 s28, $0x1;
	[dreg:$0x2] =	wrdreg s3  }
0xa9: {  	[dreg:$0x3] =	wrdreg s5  }
0xaa: {  	[dreg:$0x4] =	wrdreg $0xC0  }
0xab: {  	_ =	task [dreg:s7], $0x5FFFF  }
0xac: {  	[dreg:$0x1] =	wrdreg $0xFFFFFFFF  }
0xad: {  	[dreg:$0x0] =	wrdreg $0x60  }
0xae: {  	[dreg:$0x2] =	wrdreg s2  }
0xaf: {  	[dreg:$0x3] =	wrdreg s24  }
0xb0: {  	[dreg:$0x4] =	wrdreg $0xA  }
0xb1: {  	_ =	task.clear_ibuf [dreg:s7], $0x5FFFF;
	_ =	strace $0x90000046  }
0xb2: {  	s29 =	simm.s32 $0xA;
	_ =	strace $0x80000048  }
0xb3: {  	_ =	swait.ge [sflag:s29], $0x1  }
0xb4: {  	[sflag:s29] =	ssyncadd.s32 $0xFFFFFFFF  }
0xb5: {  	_ =	strace $0x90000048  }
0xb6: {  	_ =	sfence  }
0xb7: {  	s30 =	sld [smem:$0x0];
	_ =	sdelay $0x2  }
0xb8: {  	s31 =	sshll.u32 s1, $0xD;
	s1 =	sshrl.u32 s1, $0x2  }
0xb9: {  	s3 =	sand.u32 $0x4000, s31;
	s1 =	sadd.s32 s1, s30  }
0xba: {  	s0 =	sor.u32 s3, s0;
	s1 =	sshll.u32 s1, $0x11  }
0xbb: {  	s0 =	sor.u32 s1, s0  }
0xbc: {  	s0 =	sadd.s32 $0x8F2B, s0  }
0xbd: {  	[sflag:s0] =	ssyncadd.remote.s32 $0x1  }
0xbe: {  	_ =	sfence.sel $0xFFFF  }
0xbf: {  	[dreg:$0x0] =	wrdreg $0xFFFFFFFF;
	(pc) =	sbr.abs _section_cstart, $3  }
0xc0: {  	[dreg:$0x1] =	wrdreg $0xFFFFFFFF  }
0xc1: {  	_ =	task.clear_ibuf [dreg:s7], $0x2FFFF;
	_ =	strace $0x9FFFFFFF  }
0xc2: {  	(tm) =	ssettm $0x7FFFFFFF  }
0xc3: {  	_ =	shalt  }
tec
execute0_lowered:
.L_overlay_start_1:
0x0: {  	(tag) =	ssettag $0x1  }
0x1: {  	s1 =	srdreg.scid;
	s2 =	rddreg [dreg:$0x0]  }
0x2: {  	s0 =	stileid.u32;
	s5 =	rddreg [dreg:$0x1];
	s6 =	simm.s32 $0x1  }
0x3: {  	s9 =	simm.s32 $0x1;
	s10 =	simm.s32 $0x3;
	s1 =	sshll.u32 s1, $0x8  }
0x4: {  	s13 =	simm.s32 $0x0;
	s3 =	sshll.u32 s0, $0x9;
	s4 =	sand.u32 $0x100, s1  }
0x5: {  	s12 =	simm.s32 $0x0;
	s1 =	rddreg [dreg:$0x2];
	s3 =	sor.u32 s3, s4  }
0x6: {  	_ =	strace $0x80000047;
	s4 =	sadd.s32 $0x1E00, s5;
	s8 =	ssub.s32 $0x4000, s3  }
.Ltmp0:
0x7: {  	s5 =	sadd.s32 $0x8600, s5;
	s7 =	sand.u32 $0x1F00, s8;
	(pc) =	sbr.rel .LBB2_1-.Ltmp0, $4  }
0x8: {  	[sflag:s6] =	ssyncpa.u1 $0x0;
	s11 =	smov.u32 s3;
	p0 =	sne.s32 s7, $0x0  }
0x9: {  	s8 =	sshrl.u32 s8, $0xD;
	s7 =	simm.s32 $0x2;
	s9 =	simm.s32 @!p0 $0x0  }
0xa: {  	[sflag:s7] =	ssyncpa.u1 $0x0;
	p0 =	por $0x0, $0x0;
	s8 =	sadd.s32 s9, s8  }
0xb: {  	vm0 =	vmmov $0xffff;
	[sflag:s10] =	ssyncpa.u1 $0x0;
	s10 =	simm.s32 $0x0;
	s9 =	sadd.s32 $0x1, s8  }
.LBB2_4:
0xc: {  	v2 =	vnsel vm1, $0x0, v2  }
0xd: {  	vm1 =	vgt.s32 v0, $0x0;
	v2 =	vmin.u32 v2, $0x3FFF  }
0xe: {  	v0 =	vnsel vm1, $0x0, v0  }
0xf: {  	v0 =	vmin.u32 v0, $0x3FFF  }
0x10: {  	[tilespmem:s15], [sflag:$0x1] =	stream.indirect_vreg.gather [hbm4b:s2+s10], $0x1, v1, vm0, $0x4038;
	[tilespmem:$0x400] =	vst v63  }
0x11: {  	(ifvalue) =	ssetifvalue $0x7FFFFFFF  }
0x12: {  	[tilespmem:s16], [sflag:$0x1] =	stream.indirect_vreg.gather [hbm4b:s2+s10], $0x1, v2, vm0, $0x4038;
	[tilespmem:$0x400] =	vst v63  }
0x13: {  	s29 =	sadd.s32 $0x10, s16;
	(ifvalue) =	ssetifvalue $0x7FFFFFFF  }
0x14: {  	[tilespmem:s29], [sflag:$0x1] =	stream.indirect_vreg.gather [hbm4b:s2+s10], $0x1, v0, vm0, $0x4038;
	[tilespmem:$0x400] =	vst v63  }
0x15: {  	_ =	swait.ge [sflag:s6], $0x100  }
0x16: {  	s30 =	sshrl.u32 s13, $0x3;
	[sflag:s6] =	ssyncset.done $0x0  }
0x17: {  	s31 =	sand.u32 $0x7, s13;
	s15 =	sadd.s32 s5, s30;
	[sflag:s6] =	ssyncadd.s32 $0xFFFFFF00  }
0x18: {  	[hbm4b:s15+s31] =	stream.linear.scatter [tilespmem:s14], [sflag:$0x3], $0x100, $0x38;
	[tilespmem:$0x400] =	vst v63  }
.LBB2_5:
0x19: {  	s15 =	sadd.s32 $0x2000, s11  }
0x1a: {  	p2 =	sgt.s32 s15, $0x3FFF  }
0x1b: {  	s15 =	smov.u32 @p2 s3;
	p2 =	sne.s32 s12, s9  }
.Ltmp1:
0x1c: {  	p1 =	slt.u32 s12, $0x2;
	(pc) =	sbr.rel @!p2 .LBB2_6-.Ltmp1, $4  }
0x1d: {  	s14 =	simm.s32 @!p1 $0x3  }
0x1e: {  	s16 =	sadd.s32 $0x1, s12;
	_ =	swait.ge @!p1 [sflag:s14], $0x100  }
0x1f: {  	s13 =	smov.u32 s11;
	p0 =	por !p0, !p0;
	[sflag:s14] =	ssyncset.done @!p1 $0x0  }
0x20: {  	s12 =	smov.u32 s16;
	s11 =	smov.u32 s15;
	[sflag:s14] =	ssyncadd.s32 @!p1 $0xFFFFFF00  }
.LBB2_1:
0x21: {  	p1 =	sge.u32 s12, s8  }
0x22: {  	s14 =	sxor.u32 @!p1 $0xFFFFFFFF, s12  }
0x23: {  	s31 =	sadd.s32 $0xFFFFFFFF, s12;
	s15 =	sshrl.u32 @!p1 s11, $0x3;
	s14 =	sshll.u32 @!p1 s14, $0x8  }
0x24: {  	s16 =	sand.u32 @!p1 $0x7, s11;
	s15 =	sadd.s32 @!p1 s4, s15;
	s14 =	sand.u32 @!p1 $0x100, s14  }
0x25: {  	[tilespmem:s14], [sflag:$0x2] =	stream.linear.gather @!p1 [hbm4b:s15+s16], $0x100, $0x38;
	[tilespmem:$0x400] =	vst v63  }
0x26: {  	p1 =	sge.u32 s31, s8  }
.Ltmp2:
0x27: {  	_ = 	snop;
	(pc) =	sbr.rel @p1 .LBB2_5-.Ltmp2, $1  }
0x28: {  	_ =	sdelay $0x3  }
0x29: {  	s14 =	simm.s32 $0x1  }
0x2a: {  	_ =	swait.ge [sflag:s7], $0x100;
	s14 =	simm.s32 @!p0 $0x0  }
0x2b: {  	[sflag:s7] =	ssyncset.done $0x0;
	s14 =	sshll.u32 s14, $0x8  }
0x2c: {  	[sflag:s7] =	ssyncadd.s32 $0xFFFFFF00;
	(ifvalue) =	ssetifvalue $0x7FFFFFFF;
	v0 =	vld.msk [tilespmem:s14+$0x0 ss:$0x1], $0xffff;
	_ =	sdelay $0x4  }
0x2d: {  	s15 =	sadd.s32 $0x10, s14;
	vm1 =	vgt.s32 v0, $0x0  }
0x2e: {  	v2 =	vld.msk [tilespmem:s15+$0x0 ss:$0x1], $0xffff;
	v1 =	vnsel vm1, $0x0, v0  }
0x2f: {  	v1 =	vmin.u32 v1, $0x3FFF;
	_ =	sdelay $0x1  }
0x30: {  	s16 =	sshll.u32 s12, $0x8;
	s18 =	simm.s32 $0x20  }
0x31: {  	s16 =	sand.u32 $0x100, s16;
	s17 =	sadd.s32 $0x10, s15;
	s15 =	sor.u32 $0x200, s14  }
0x32: {  	s14 =	sor.u32 $0x200, s16;
	s16 =	sadd.s32 $0x10, s15;
	v0 =	vld.msk [tilespmem:s17+$0x0 ss:$0x1], $0xffff;
	vm1 =	vgt.s32 v2, $0x0;
	(ifvalue) =	ssetifvalue $0x7FFFFFFF  }
.LBB2_3:
0x33: {  	[tilespmem:s15], [sflag:$0x1] =	stream.indirect_vreg.gather [hbm4b:s2+s10], $0x1, v1, vm0, $0x4038;
	[tilespmem:$0x400] =	vst v63  }
0x34: {  	s18 =	sadd.s32 $0x10, s18  }
0x35: {  	v2 =	vnsel vm1, $0x0, v2;
	p1 =	slt.u32 s18, $0xF0  }
.Ltmp3:
0x36: {  	s15 =	smov.u32 s16;
	v1 =	vmin.u32 v2, $0x3FFF;
	(pc) =	sbr.rel @p1 .LBB2_3-.Ltmp3, $3  }
0x37: {  	_ =	sdelay $0x1  }
0x38: {  	s17 =	sadd.s32 $0x10, s17  }
0x39: {  	vm1 =	vgt.s32 v0, $0x0;
	s16 =	sadd.s32 $0x10, s16;
	v2 =	vmov v0;
	(ifvalue) =	ssetifvalue $0x7FFFFFFF;
	v0 =	vld.msk [tilespmem:s17+$0x0 ss:$0x1], $0xffff  }
.Ltmp4:
0x3a: {  	_ = 	snop;
	(pc) =	sbr.rel .LBB2_4-.Ltmp4, $1  }
0x3b: {  	_ =	sdelay $0x3  }
.LBB2_6:
0x3c: {  	_ =	sfence.sel $0x180000  }
0x3d: {  	s2 =	simm.s32 $0x2;
	[bflag:$0x0] =	sbarrier.arrive $0xFFFF  }
0x3e: {  	s30 =	simm.s32 $0x3;
	[sflag:s2] =	ssyncpa.u1 $0x1  }
0x3f: {  	s31 =	simm.s32 $0x1;
	[sflag:s30] =	ssyncpa.u1 $0x1  }
0x40: {  	[sflag:s31] =	ssyncpa.u1 $0x1  }
0x41: {  	p0 =	sne.s32 s0, $0x0;
	_ =	strace $0x90000047  }
0x42: {  	s0 =	sadd.s32 @!p0 $0x100000, s1;
	[bflag:$0x2] =	sbarrier.arrive $0xFFFF  }
0x43: {  	[sflag:s0] =	ssyncadd.tile.s32 @!p0 $0x1;
	_ =	shalt  }
.Lfunc_end2:
_tile_overlayer_lowered:
.L_overlay_start_2:
0x44: {  	(tag) =	ssettag $0x2  }
0x45: {  	s0 =	rddreg [dreg:$0x0];
	s2 =	stileid.u32  }
0x46: {  	s1 =	rddreg [dreg:$0x1];
	p0 =	sne.s32 s2, $0x0  }
0x47: {  	s3 =	rddreg [dreg:$0x2];
	[bflag:$0x3] =	sbarrier.arrive $0xFFFF;
	s2 =	simm.s32 @!p0 $0x1C01  }
0x48: {  	[timem:s3], [sflag:s2] =	dma.local @!p0 [hbm:s0], s1  }
0x49: {  	s0 =	simm.s32 @!p0 $0x1  }
0x4a: {  	_ =	swait.ge @!p0 [sflag:s0], s1  }
0x4b: {  	s1 =	ssub.s32 @!p0 $0x0, s1;
	[sflag:s0] =	ssyncset.done @!p0 $0x0  }
0x4c: {  	[sflag:s0] =	ssyncadd.s32 @!p0 s1  }
0x4d: {  	[bflag:$0x3] =	sbarrier.arrive $0xFFFF  }
0x4e: {  	_ =	shalt  }

</sc_bundles>
